<compile_context>
chip_gen: v7x
topology: tpu7x:2x2x1
jax: 0.10.2.dev20260603
libtpu: 0.0.44.dev20260713+nightly
codegen_flags: <defaults>
</compile_context>

<pallas_src>
import functools

import jax
import jax.numpy as jnp
from jax import lax
from jax.experimental import pallas as pl
from jax.experimental.pallas import tpu as pltpu
from jax.experimental.pallas import tpu_sc as plsc

_TOK_BLOCK = 1024


def _dist_argmin_kernel(x_ref, ctm_ref, idx_ref, loss_ref):
    x = x_ref[...]
    ctm = ctm_ref[...]
    k = ctm.shape[1]
    half = k // 2
    x2 = jnp.sum(x * x, axis=-1, keepdims=True)
    c2 = 0.25 * jnp.sum(ctm * ctm, axis=0, keepdims=True)
    xcm = jnp.dot(
        x.astype(jnp.bfloat16),
        ctm.astype(jnp.bfloat16),
        preferred_element_type=jnp.float32,
    )

    t = x.shape[0]
    lanes = 128
    nblk = k // lanes

    def scan_half(lo, hi):
        run = jnp.full((t, lanes), jnp.inf, dtype=jnp.float32)
        jwin = jnp.zeros((t, lanes), dtype=jnp.int32)
        for b in range(lo, hi):
            sl = slice(b * lanes, (b + 1) * lanes)
            d2b = (x2 + c2[:, sl]) + xcm[:, sl]
            m = d2b < run
            run = jnp.minimum(run, d2b)
            jwin = jnp.where(m, b, jwin)
        ids = jwin * lanes + lax.broadcasted_iota(jnp.int32, (t, lanes), 1)
        mv = jnp.min(run, axis=-1, keepdims=True)
        iv = jnp.min(jnp.where(run <= mv, ids, k), axis=-1)
        return mv, iv

    ma, ia = scan_half(0, nblk // 2)
    mb, ib = scan_half(nblk // 2, nblk)
    da = jnp.sqrt(jnp.maximum(ma, 0.0))
    db = jnp.sqrt(jnp.maximum(mb, 0.0))
    dab = da.astype(jnp.bfloat16).astype(jnp.float32)
    pick_a = (dab <= db)[:, 0]
    idx_ref[...] = jnp.where(pick_a, ia, ib)

    @pl.when(pl.program_id(0) == 0)
    def _init():
        loss_ref[0, 0] = 0.0

    loss_ref[0, 0] += jnp.sum(jnp.maximum(jnp.minimum(ma, mb), 0.0))


def _dist_argmin(flat, codebook):
    n, d = flat.shape
    kk = codebook.shape[0]
    nb = n // _TOK_BLOCK
    idx_flat, loss_sum = pl.pallas_call(
        _dist_argmin_kernel,
        grid=(nb,),
        in_specs=[
            pl.BlockSpec((_TOK_BLOCK, d), lambda i: (i, 0)),
            pl.BlockSpec((d, kk), lambda i: (0, 0)),
        ],
        out_specs=[
            pl.BlockSpec((_TOK_BLOCK,), lambda i: (i,)),
            pl.BlockSpec(memory_space=pltpu.SMEM),
        ],
        out_shape=[
            jax.ShapeDtypeStruct((n,), jnp.int32),
            jax.ShapeDtypeStruct((1, 1), jnp.float32),
        ],
    )(flat, codebook.T * -2.0)
    return idx_flat, loss_sum


def _sc_gather(codebook, idx_flat, n, d):
    info = plsc.get_sparse_core_info()
    nw = info.num_cores * info.num_subcores
    ch = n // nw
    nch = 1
    idx3 = idx_flat.reshape(nw, nch, ch)
    w = 128
    table = jnp.pad(codebook, ((0, 0), (0, w - d)))
    mesh = plsc.VectorSubcoreMesh(core_axis_name="c", subcore_axis_name="s")

    @functools.partial(
        pl.kernel,
        mesh=mesh,
        out_type=jax.ShapeDtypeStruct((nw, nch, ch, w), jnp.float32),
        scratch_types=[
            pltpu.VMEM((nch, ch), jnp.int32),
            pltpu.VMEM((nch, ch, w), jnp.float32),
            pltpu.SemaphoreType.DMA,
        ],
    )
    def gather_k(table_hbm, idx_hbm, out_hbm, idx_v, rows_v, sem):
        wid = lax.axis_index("s") * info.num_cores + lax.axis_index("c")
        pltpu.sync_copy(idx_hbm.at[wid], idx_v)
        copies = [
            pltpu.async_copy(table_hbm.at[idx_v.at[j]], rows_v.at[j], sem)
            for j in range(nch)
        ]
        for c in copies:
            c.wait()
        pltpu.sync_copy(rows_v, out_hbm.at[wid])

    return gather_k(table, idx3).reshape(n, w)[:, :d]


def kernel(x, codebook):
    b, t, d = x.shape
    n = b * t
    flat = x.reshape(n, d)
    idx_flat, loss_sum = _dist_argmin(flat, codebook)
    quantized = _sc_gather(codebook, idx_flat, n, d).reshape(x.shape)
    indices = idx_flat.reshape(b, t)
    commit_loss = loss_sum[0, 0] / (n * d)
    return (quantized, indices, commit_loss)

# --- scband reference (transcript-rebuilt; emitter-appended) ---
"""Pipeline reference for scband-sim-vq-45148696216566 (READ-ONLY COPY).

The authoritative reference and input builder live on the scoring server;
editing this copy changes nothing except your own understanding.
"""

import jax, jax.numpy as jnp
import numpy as np

DIM = 32
CODEBOOK_SIZE = 8192
COMMITMENT_WEIGHT = 1.0


def setup_inputs(seed: int = 0) -> dict:
    key = jax.random.key(seed)
    kx, kc = jax.random.split(key)
    x = jax.random.normal(kx, (16, 1024, DIM), dtype=jnp.float32)
    codebook = jax.random.normal(kc, (CODEBOOK_SIZE, DIM), dtype=jnp.float32)
    return {"x": x, "codebook": codebook}


def _cdist(a, b):
    # Euclidean distance matrix, matching torch.cdist(p=2)
    a2 = jnp.sum(a * a, axis=-1, keepdims=True)          # [N, 1]
    b2 = jnp.sum(b * b, axis=-1)[None, :]                # [1, K]
    d2 = a2 + b2 - 2.0 * (a @ b.T)
    return jnp.sqrt(jnp.maximum(d2, 0.0))


def reference(x, codebook):
    flat = x.reshape(-1, DIM)                            # [N, dim]
    dist = _cdist(flat, codebook)                        # [N, K]
    indices_flat = jnp.argmin(dist, axis=-1)             # [N]
    indices = indices_flat.reshape(x.shape[:-1])         # [B, T]
    quantized = jnp.take(codebook, indices_flat, axis=0).reshape(x.shape)
    commit_loss = jnp.mean((x - jax.lax.stop_gradient(quantized)) ** 2)
    quantized_st = x + jax.lax.stop_gradient(quantized - x)
    return (quantized_st, indices, commit_loss * COMMITMENT_WEIGHT)

if __name__ == "__main__":
    import jax
    _d = setup_inputs()
    print(jax.jit(kernel)(*tuple(_d.values())))

</pallas_src>

<mosaic_0001>
#map = affine_map<(d0, d1) -> (0, 0)>
#map1 = affine_map<(d0, d1) -> (0, 0, 0)>
#map2 = affine_map<(d0, d1) -> (0, 0, 0, 0)>
module attributes {stable_mosaic.version = 14 : i64} {
  func.func @gather_k(%arg0: i32, %arg1: i32, %arg2: memref<8192x128xf32, #tpu.memory_space<hbm>>, %arg3: memref<32x1x512xi32, #tpu.memory_space<hbm>>, %arg4: memref<32x1x512x128xf32, #tpu.memory_space<hbm>>, %arg5: memref<1x512xi32, #tpu.memory_space<vmem>>, %arg6: memref<1x512x128xf32, #tpu.memory_space<vmem>>, %arg7: memref<!tpu.dma_semaphore, #tpu.memory_space<semaphore_mem>>) attributes {dimension_semantics = [#tpu.dimension_semantics<core_parallel>, #tpu.dimension_semantics<subcore_parallel>], iteration_bounds = array<i64: 2, 16>, scalar_prefetch = 0 : i64, scratch_operands = 3 : i64, tpu.core_type = #tpu.core_type<sc_vector_subcore>, window_params = [{transform_indices = #map}, {transform_indices = #map1}, {transform_indices = #map2}]} {
    %mul3A = arith.constant 2 : i32
    %mul3A_0 = arith.muli %arg1, %mul3A : i32
    %add3A = arith.addi %mul3A_0, %arg0 : i32
    "tpu.region"() ({
      %run_scoped3A = tpu.sem_alloc : memref<!tpu.dma_semaphore, #tpu.memory_space<semaphore_mem>>
      %dma_start3A_23 = arith.constant 0 : i32
      %dma_start3A_24 = arith.constant 0 : i32
      %dma_start3A_25 = tpu.memref_slice %arg3[%add3A, %dma_start3A_23, %dma_start3A_24] : memref<32x1x512xi32, #tpu.memory_space<hbm>> -> memref<1x1x512xi32, #tpu.memory_space<hbm>>
      %dma_start3A_26 = tpu.memref_squeeze %dma_start3A_25 : memref<1x1x512xi32, #tpu.memory_space<hbm>> -> memref<1x512xi32, #tpu.memory_space<hbm>>
      %dma_start3A_27 = arith.constant 0 : i32
      %dma_start3A_28 = arith.constant 0 : i32
      %dma_start3A_29 = tpu.memref_slice %arg3[%add3A, %dma_start3A_27, %dma_start3A_28] : memref<32x1x512xi32, #tpu.memory_space<hbm>> -> memref<1x1x512xi32, #tpu.memory_space<hbm>>
      %dma_start3A_30 = tpu.memref_squeeze %dma_start3A_29 : memref<1x1x512xi32, #tpu.memory_space<hbm>> -> memref<1x512xi32, #tpu.memory_space<hbm>>
      tpu.enqueue_dma source(%dma_start3A_30 : memref<1x512xi32, #tpu.memory_space<hbm>>) target(%arg5 : memref<1x512xi32, #tpu.memory_space<vmem>>) target_semaphore(%run_scoped3A : memref<!tpu.dma_semaphore, #tpu.memory_space<semaphore_mem>>)
      %dma_wait3A_31 = arith.constant 0 : i32
      %dma_wait3A_32 = arith.constant 0 : i32
      %dma_wait3A_33 = tpu.memref_slice %arg3[%add3A, %dma_wait3A_31, %dma_wait3A_32] : memref<32x1x512xi32, #tpu.memory_space<hbm>> -> memref<1x1x512xi32, #tpu.memory_space<hbm>>
      %dma_wait3A_34 = tpu.memref_squeeze %dma_wait3A_33 : memref<1x1x512xi32, #tpu.memory_space<hbm>> -> memref<1x512xi32, #tpu.memory_space<hbm>>
      %dma_wait3A_35 = arith.constant 0 : i32
      %dma_wait3A_36 = arith.constant 0 : i32
      %dma_wait3A_37 = tpu.memref_slice %arg3[%add3A, %dma_wait3A_35, %dma_wait3A_36] : memref<32x1x512xi32, #tpu.memory_space<hbm>> -> memref<1x1x512xi32, #tpu.memory_space<hbm>>
      %dma_wait3A_38 = tpu.memref_squeeze %dma_wait3A_37 : memref<1x1x512xi32, #tpu.memory_space<hbm>> -> memref<1x512xi32, #tpu.memory_space<hbm>>
      tpu.wait_dma2 semaphore(%run_scoped3A : memref<!tpu.dma_semaphore, #tpu.memory_space<semaphore_mem>>) src(%dma_wait3A_38 : memref<1x512xi32, #tpu.memory_space<hbm>>) dst(%arg5 : memref<1x512xi32, #tpu.memory_space<vmem>>)
      tpu.yield
    }) : () -> ()
    %dma_start3A = arith.constant 0 : i32
    %dma_start3A_1 = arith.constant 0 : i32
    %dma_start3A_2 = arith.constant 0 : i32
    %dma_start3A_3 = arith.constant 0 : i32
    %dma_start3A_4 = tpu.memref_slice %arg6[%dma_start3A_1, %dma_start3A_2, %dma_start3A_3] : memref<1x512x128xf32, #tpu.memory_space<vmem>> -> memref<1x512x128xf32, #tpu.memory_space<vmem>>
    %dma_start3A_5 = tpu.memref_squeeze %dma_start3A_4 : memref<1x512x128xf32, #tpu.memory_space<vmem>> -> memref<512x128xf32, #tpu.memory_space<vmem>>
    %dma_start3A_6 = arith.constant 0 : i32
    %dma_start3A_7 = tpu.memref_slice %arg5[%dma_start3A, %dma_start3A_6] : memref<1x512xi32, #tpu.memory_space<vmem>> -> memref<1x512xi32, #tpu.memory_space<vmem>>
    %dma_start3A_8 = tpu.memref_squeeze %dma_start3A_7 : memref<1x512xi32, #tpu.memory_space<vmem>> -> memref<512xi32, #tpu.memory_space<vmem>>
    %dma_start3A_9 = arith.constant 0 : i32
    %dma_start3A_10 = arith.constant 0 : i32
    %dma_start3A_11 = tpu.memref_slice %arg2[%dma_start3A_9, %dma_start3A_10] : memref<8192x128xf32, #tpu.memory_space<hbm>> -> memref<8192x128xf32, #tpu.memory_space<hbm>>
    tpu.enqueue_indirect_dma source(%dma_start3A_11 : memref<8192x128xf32, #tpu.memory_space<hbm>>) target(%dma_start3A_5 : memref<512x128xf32, #tpu.memory_space<vmem>>) offsets(%dma_start3A_8 : memref<512xi32, #tpu.memory_space<vmem>>) semaphore(%arg7 : memref<!tpu.dma_semaphore, #tpu.memory_space<semaphore_mem>>)
    %dma_wait3A = arith.constant 0 : i32
    %dma_wait3A_12 = arith.constant 0 : i32
    %dma_wait3A_13 = arith.constant 0 : i32
    %dma_wait3A_14 = arith.constant 0 : i32
    %dma_wait3A_15 = tpu.memref_slice %arg6[%dma_wait3A_12, %dma_wait3A_13, %dma_wait3A_14] : memref<1x512x128xf32, #tpu.memory_space<vmem>> -> memref<1x512x128xf32, #tpu.memory_space<vmem>>
    %dma_wait3A_16 = tpu.memref_squeeze %dma_wait3A_15 : memref<1x512x128xf32, #tpu.memory_space<vmem>> -> memref<512x128xf32, #tpu.memory_space<vmem>>
    %dma_wait3A_17 = arith.constant 0 : i32
    %dma_wait3A_18 = tpu.memref_slice %arg5[%dma_wait3A, %dma_wait3A_17] : memref<1x512xi32, #tpu.memory_space<vmem>> -> memref<1x512xi32, #tpu.memory_space<vmem>>
    %dma_wait3A_19 = tpu.memref_squeeze %dma_wait3A_18 : memref<1x512xi32, #tpu.memory_space<vmem>> -> memref<512xi32, #tpu.memory_space<vmem>>
    %dma_wait3A_20 = arith.constant 0 : i32
    %dma_wait3A_21 = arith.constant 0 : i32
    %dma_wait3A_22 = tpu.memref_slice %arg2[%dma_wait3A_20, %dma_wait3A_21] : memref<8192x128xf32, #tpu.memory_space<hbm>> -> memref<8192x128xf32, #tpu.memory_space<hbm>>
    tpu.wait_indirect_dma semaphore(%arg7 : memref<!tpu.dma_semaphore, #tpu.memory_space<semaphore_mem>>) src(%dma_wait3A_22 : memref<8192x128xf32, #tpu.memory_space<hbm>>) dst(%dma_wait3A_16 : memref<512x128xf32, #tpu.memory_space<vmem>>)
    "tpu.region"() ({
      %run_scoped3A = tpu.sem_alloc : memref<!tpu.dma_semaphore, #tpu.memory_space<semaphore_mem>>
      %dma_start3A_23 = arith.constant 0 : i32
      %dma_start3A_24 = arith.constant 0 : i32
      %dma_start3A_25 = arith.constant 0 : i32
      %dma_start3A_26 = tpu.memref_slice %arg4[%add3A, %dma_start3A_23, %dma_start3A_24, %dma_start3A_25] : memref<32x1x512x128xf32, #tpu.memory_space<hbm>> -> memref<1x1x512x128xf32, #tpu.memory_space<hbm>>
      %dma_start3A_27 = tpu.memref_squeeze %dma_start3A_26 : memref<1x1x512x128xf32, #tpu.memory_space<hbm>> -> memref<1x512x128xf32, #tpu.memory_space<hbm>>
      %dma_start3A_28 = arith.constant 0 : i32
      %dma_start3A_29 = arith.constant 0 : i32
      %dma_start3A_30 = arith.constant 0 : i32
      %dma_start3A_31 = tpu.memref_slice %arg4[%add3A, %dma_start3A_28, %dma_start3A_29, %dma_start3A_30] : memref<32x1x512x128xf32, #tpu.memory_space<hbm>> -> memref<1x1x512x128xf32, #tpu.memory_space<hbm>>
      %dma_start3A_32 = tpu.memref_squeeze %dma_start3A_31 : memref<1x1x512x128xf32, #tpu.memory_space<hbm>> -> memref<1x512x128xf32, #tpu.memory_space<hbm>>
      tpu.enqueue_dma source(%arg6 : memref<1x512x128xf32, #tpu.memory_space<vmem>>) target(%dma_start3A_32 : memref<1x512x128xf32, #tpu.memory_space<hbm>>) target_semaphore(%run_scoped3A : memref<!tpu.dma_semaphore, #tpu.memory_space<semaphore_mem>>)
      %dma_wait3A_33 = arith.constant 0 : i32
      %dma_wait3A_34 = arith.constant 0 : i32
      %dma_wait3A_35 = arith.constant 0 : i32
      %dma_wait3A_36 = tpu.memref_slice %arg4[%add3A, %dma_wait3A_33, %dma_wait3A_34, %dma_wait3A_35] : memref<32x1x512x128xf32, #tpu.memory_space<hbm>> -> memref<1x1x512x128xf32, #tpu.memory_space<hbm>>
      %dma_wait3A_37 = tpu.memref_squeeze %dma_wait3A_36 : memref<1x1x512x128xf32, #tpu.memory_space<hbm>> -> memref<1x512x128xf32, #tpu.memory_space<hbm>>
      %dma_wait3A_38 = arith.constant 0 : i32
      %dma_wait3A_39 = arith.constant 0 : i32
      %dma_wait3A_40 = arith.constant 0 : i32
      %dma_wait3A_41 = tpu.memref_slice %arg4[%add3A, %dma_wait3A_38, %dma_wait3A_39, %dma_wait3A_40] : memref<32x1x512x128xf32, #tpu.memory_space<hbm>> -> memref<1x1x512x128xf32, #tpu.memory_space<hbm>>
      %dma_wait3A_42 = tpu.memref_squeeze %dma_wait3A_41 : memref<1x1x512x128xf32, #tpu.memory_space<hbm>> -> memref<1x512x128xf32, #tpu.memory_space<hbm>>
      tpu.wait_dma2 semaphore(%run_scoped3A : memref<!tpu.dma_semaphore, #tpu.memory_space<semaphore_mem>>) src(%arg6 : memref<1x512x128xf32, #tpu.memory_space<vmem>>) dst(%dma_wait3A_42 : memref<1x512x128xf32, #tpu.memory_space<hbm>>)
      tpu.yield
    }) : () -> ()
    return
  }
}

module attributes {stable_mosaic.version = 14 : i64} {
  func.func @_dist_argmin_kernel(%arg0: i32, %arg1: memref<1024x32xf32, #tpu.memory_space<vmem>>, %arg2: memref<32x8192xf32, #tpu.memory_space<vmem>>, %arg3: memref<1024xi32, #tpu.memory_space<vmem>>, %arg4: memref<1x1xf32, #tpu.memory_space<smem>>) attributes {dimension_semantics = [#tpu.dimension_semantics<arbitrary>], iteration_bounds = array<i64: 16>, scalar_prefetch = 0 : i64, scratch_operands = 0 : i64, tpu.core_type = #tpu.core_type<tc>, window_params = [{transform_indices = @transform_0, window_bounds = array<i64: 1024, 32>}, {pipeline_mode = #tpu.pipeline_mode<synchronous>, transform_indices = @transform_1, window_bounds = array<i64: 32, 8192>}, {transform_indices = @transform_2, window_bounds = array<i64: 1024>}, {transform_indices = @transform_3, window_bounds = array<i64: 1, 1>}]} {
    %get3A = arith.constant 0 : index
    %get3A_0 = arith.constant 0 : index
    %get3A_1 = vector.load %arg1[%get3A, %get3A_0] : memref<1024x32xf32, #tpu.memory_space<vmem>>, vector<1024x32xf32>
    %get3A_2 = arith.constant 0 : index
    %get3A_3 = arith.constant 0 : index
    %get3A_4 = vector.load %arg2[%get3A_2, %get3A_3] : memref<32x8192xf32, #tpu.memory_space<vmem>>, vector<32x8192xf32>
    %mul3A = arith.mulf %get3A_1, %get3A_1 : vector<1024x32xf32>
    %reduce_sum3A = arith.constant dense<0.000000e+00> : vector<1024xf32>
    %reduce_sum3A_5 = vector.multi_reduction <add>, %mul3A, %reduce_sum3A [1] : vector<1024x32xf32> to vector<1024xf32>
    %broadcast_in_dim3A = vector.shape_cast %reduce_sum3A_5 : vector<1024xf32> to vector<1024x1xf32>
    %mul3A_6 = arith.mulf %get3A_4, %get3A_4 : vector<32x8192xf32>
    %reduce_sum3A_7 = arith.constant dense<0.000000e+00> : vector<8192xf32>
    %reduce_sum3A_8 = vector.multi_reduction <add>, %mul3A_6, %reduce_sum3A_7 [0] : vector<32x8192xf32> to vector<8192xf32>
    %broadcast_in_dim3A_9 = vector.shape_cast %reduce_sum3A_8 : vector<8192xf32> to vector<1x8192xf32>
    %mul3A_10 = arith.constant 2.500000e-01 : f32
    %mul3A_11 = vector.broadcast %mul3A_10 : f32 to vector<1x8192xf32>
    %mul3A_12 = arith.mulf %mul3A_11, %broadcast_in_dim3A_9 : vector<1x8192xf32>
    %convert_element_type3A = arith.truncf %get3A_1 : vector<1024x32xf32> to vector<1024x32xbf16>
    %convert_element_type3A_13 = arith.truncf %get3A_4 : vector<32x8192xf32> to vector<32x8192xbf16>
    %dot_general3A = arith.constant dense<0.000000e+00> : vector<1024x8192xf32>
    %dot_general3A_14 = tpu.matmul %convert_element_type3A, %convert_element_type3A_13, %dot_general3A {dimension_numbers = #tpu.dot_dimension_numbers<[1], [0], [0], [1], [0, 0, 1, 1], [], []>, transpose_lhs_hint = false} : vector<1024x32xbf16>, vector<32x8192xbf16>, vector<1024x8192xf32> -> vector<1024x8192xf32>
    %broadcast_in_dim3A_15 = arith.constant 0x7F800000 : f32
    %broadcast_in_dim3A_16 = vector.broadcast %broadcast_in_dim3A_15 : f32 to vector<1024x128xf32>
    %broadcast_in_dim3A_17 = arith.constant 0 : i32
    %broadcast_in_dim3A_18 = vector.broadcast %broadcast_in_dim3A_17 : i32 to vector<1024x128xi32>
    %slice3A = vector.extract_strided_slice %mul3A_12 {offsets = [0, 0], sizes = [1, 128], strides = [1, 1]} : vector<1x8192xf32> to vector<1x128xf32>
    %add3A = vector.broadcast %broadcast_in_dim3A : vector<1024x1xf32> to vector<1024x128xf32>
    %add3A_19 = vector.broadcast %slice3A : vector<1x128xf32> to vector<1024x128xf32>
    %add3A_20 = arith.addf %add3A, %add3A_19 : vector<1024x128xf32>
    %slice3A_21 = vector.extract_strided_slice %dot_general3A_14 {offsets = [0, 0], sizes = [1024, 128], strides = [1, 1]} : vector<1024x8192xf32> to vector<1024x128xf32>
    %add3A_22 = arith.addf %add3A_20, %slice3A_21 : vector<1024x128xf32>
    %lt3A = arith.cmpf olt, %add3A_22, %broadcast_in_dim3A_16 : vector<1024x128xf32>
    %min3A = arith.minimumf %broadcast_in_dim3A_16, %add3A_22 : vector<1024x128xf32>
    %jit3A = arith.constant 0 : i32
    %broadcast_in_dim3A_23 = vector.broadcast %jit3A : i32 to vector<1024x128xi32>
    %select_n3A = arith.select %lt3A, %broadcast_in_dim3A_23, %broadcast_in_dim3A_18 : vector<1024x128xi1>, vector<1024x128xi32>
    %slice3A_24 = vector.extract_strided_slice %mul3A_12 {offsets = [0, 128], sizes = [1, 128], strides = [1, 1]} : vector<1x8192xf32> to vector<1x128xf32>
    %add3A_25 = vector.broadcast %broadcast_in_dim3A : vector<1024x1xf32> to vector<1024x128xf32>
    %add3A_26 = vector.broadcast %slice3A_24 : vector<1x128xf32> to vector<1024x128xf32>
    %add3A_27 = arith.addf %add3A_25, %add3A_26 : vector<1024x128xf32>
    %slice3A_28 = vector.extract_strided_slice %dot_general3A_14 {offsets = [0, 128], sizes = [1024, 128], strides = [1, 1]} : vector<1024x8192xf32> to vector<1024x128xf32>
    %add3A_29 = arith.addf %add3A_27, %slice3A_28 : vector<1024x128xf32>
    %lt3A_30 = arith.cmpf olt, %add3A_29, %min3A : vector<1024x128xf32>
    %min3A_31 = arith.minimumf %min3A, %add3A_29 : vector<1024x128xf32>
    %jit3A_32 = arith.constant 1 : i32
    %broadcast_in_dim3A_33 = vector.broadcast %jit3A_32 : i32 to vector<1024x128xi32>
    %select_n3A_34 = arith.select %lt3A_30, %broadcast_in_dim3A_33, %select_n3A : vector<1024x128xi1>, vector<1024x128xi32>
    %slice3A_35 = vector.extract_strided_slice %mul3A_12 {offsets = [0, 256], sizes = [1, 128], strides = [1, 1]} : vector<1x8192xf32> to vector<1x128xf32>
    %add3A_36 = vector.broadcast %broadcast_in_dim3A : vector<1024x1xf32> to vector<1024x128xf32>
    %add3A_37 = vector.broadcast %slice3A_35 : vector<1x128xf32> to vector<1024x128xf32>
    %add3A_38 = arith.addf %add3A_36, %add3A_37 : vector<1024x128xf32>
    %slice3A_39 = vector.extract_strided_slice %dot_general3A_14 {offsets = [0, 256], sizes = [1024, 128], strides = [1, 1]} : vector<1024x8192xf32> to vector<1024x128xf32>
    %add3A_40 = arith.addf %add3A_38, %slice3A_39 : vector<1024x128xf32>
    %lt3A_41 = arith.cmpf olt, %add3A_40, %min3A_31 : vector<1024x128xf32>
    %min3A_42 = arith.minimumf %min3A_31, %add3A_40 : vector<1024x128xf32>
    %jit3A_43 = arith.constant 2 : i32
    %broadcast_in_dim3A_44 = vector.broadcast %jit3A_43 : i32 to vector<1024x128xi32>
    %select_n3A_45 = arith.select %lt3A_41, %broadcast_in_dim3A_44, %select_n3A_34 : vector<1024x128xi1>, vector<1024x128xi32>
    %slice3A_46 = vector.extract_strided_slice %mul3A_12 {offsets = [0, 384], sizes = [1, 128], strides = [1, 1]} : vector<1x8192xf32> to vector<1x128xf32>
    %add3A_47 = vector.broadcast %broadcast_in_dim3A : vector<1024x1xf32> to vector<1024x128xf32>
    %add3A_48 = vector.broadcast %slice3A_46 : vector<1x128xf32> to vector<1024x128xf32>
    %add3A_49 = arith.addf %add3A_47, %add3A_48 : vector<1024x128xf32>
    %slice3A_50 = vector.extract_strided_slice %dot_general3A_14 {offsets = [0, 384], sizes = [1024, 128], strides = [1, 1]} : vector<1024x8192xf32> to vector<1024x128xf32>
    %add3A_51 = arith.addf %add3A_49, %slice3A_50 : vector<1024x128xf32>
    %lt3A_52 = arith.cmpf olt, %add3A_51, %min3A_42 : vector<1024x128xf32>
    %min3A_53 = arith.minimumf %min3A_42, %add3A_51 : vector<1024x128xf32>
    %jit3A_54 = arith.constant 3 : i32
    %broadcast_in_dim3A_55 = vector.broadcast %jit3A_54 : i32 to vector<1024x128xi32>
    %select_n3A_56 = arith.select %lt3A_52, %broadcast_in_dim3A_55, %select_n3A_45 : vector<1024x128xi1>, vector<1024x128xi32>
    %slice3A_57 = vector.extract_strided_slice %mul3A_12 {offsets = [0, 512], sizes = [1, 128], strides = [1, 1]} : vector<1x8192xf32> to vector<1x128xf32>
    %add3A_58 = vector.broadcast %broadcast_in_dim3A : vector<1024x1xf32> to vector<1024x128xf32>
    %add3A_59 = vector.broadcast %slice3A_57 : vector<1x128xf32> to vector<1024x128xf32>
    %add3A_60 = arith.addf %add3A_58, %add3A_59 : vector<1024x128xf32>
    %slice3A_61 = vector.extract_strided_slice %dot_general3A_14 {offsets = [0, 512], sizes = [1024, 128], strides = [1, 1]} : vector<1024x8192xf32> to vector<1024x128xf32>
    %add3A_62 = arith.addf %add3A_60, %slice3A_61 : vector<1024x128xf32>
    %lt3A_63 = arith.cmpf olt, %add3A_62, %min3A_53 : vector<1024x128xf32>
    %min3A_64 = arith.minimumf %min3A_53, %add3A_62 : vector<1024x128xf32>
    %jit3A_65 = arith.constant 4 : i32
    %broadcast_in_dim3A_66 = vector.broadcast %jit3A_65 : i32 to vector<1024x128xi32>
    %select_n3A_67 = arith.select %lt3A_63, %broadcast_in_dim3A_66, %select_n3A_56 : vector<1024x128xi1>, vector<1024x128xi32>
    %slice3A_68 = vector.extract_strided_slice %mul3A_12 {offsets = [0, 640], sizes = [1, 128], strides = [1, 1]} : vector<1x8192xf32> to vector<1x128xf32>
    %add3A_69 = vector.broadcast %broadcast_in_dim3A : vector<1024x1xf32> to vector<1024x128xf32>
    %add3A_70 = vector.broadcast %slice3A_68 : vector<1x128xf32> to vector<1024x128xf32>
    %add3A_71 = arith.addf %add3A_69, %add3A_70 : vector<1024x128xf32>
    %slice3A_72 = vector.extract_strided_slice %dot_general3A_14 {offsets = [0, 640], sizes = [1024, 128], strides = [1, 1]} : vector<1024x8192xf32> to vector<1024x128xf32>
    %add3A_73 = arith.addf %add3A_71, %slice3A_72 : vector<1024x128xf32>
    %lt3A_74 = arith.cmpf olt, %add3A_73, %min3A_64 : vector<1024x128xf32>
    %min3A_75 = arith.minimumf %min3A_64, %add3A_73 : vector<1024x128xf32>
    %jit3A_76 = arith.constant 5 : i32
    %broadcast_in_dim3A_77 = vector.broadcast %jit3A_76 : i32 to vector<1024x128xi32>
    %select_n3A_78 = arith.select %lt3A_74, %broadcast_in_dim3A_77, %select_n3A_67 : vector<1024x128xi1>, vector<1024x128xi32>
    %slice3A_79 = vector.extract_strided_slice %mul3A_12 {offsets = [0, 768], sizes = [1, 128], strides = [1, 1]} : vector<1x8192xf32> to vector<1x128xf32>
    %add3A_80 = vector.broadcast %broadcast_in_dim3A : vector<1024x1xf32> to vector<1024x128xf32>
    %add3A_81 = vector.broadcast %slice3A_79 : vector<1x128xf32> to vector<1024x128xf32>
    %add3A_82 = arith.addf %add3A_80, %add3A_81 : vector<1024x128xf32>
    %slice3A_83 = vector.extract_strided_slice %dot_general3A_14 {offsets = [0, 768], sizes = [1024, 128], strides = [1, 1]} : vector<1024x8192xf32> to vector<1024x128xf32>
    %add3A_84 = arith.addf %add3A_82, %slice3A_83 : vector<1024x128xf32>
    %lt3A_85 = arith.cmpf olt, %add3A_84, %min3A_75 : vector<1024x128xf32>
    %min3A_86 = arith.minimumf %min3A_75, %add3A_84 : vector<1024x128xf32>
    %jit3A_87 = arith.constant 6 : i32
    %broadcast_in_dim3A_88 = vector.broadcast %jit3A_87 : i32 to vector<1024x128xi32>
    %select_n3A_89 = arith.select %lt3A_85, %broadcast_in_dim3A_88, %select_n3A_78 : vector<1024x128xi1>, vector<1024x128xi32>
    %slice3A_90 = vector.extract_strided_slice %mul3A_12 {offsets = [0, 896], sizes = [1, 128], strides = [1, 1]} : vector<1x8192xf32> to vector<1x128xf32>
    %add3A_91 = vector.broadcast %broadcast_in_dim3A : vector<1024x1xf32> to vector<1024x128xf32>
    %add3A_92 = vector.broadcast %slice3A_90 : vector<1x128xf32> to vector<1024x128xf32>
    %add3A_93 = arith.addf %add3A_91, %add3A_92 : vector<1024x128xf32>
    %slice3A_94 = vector.extract_strided_slice %dot_general3A_14 {offsets = [0, 896], sizes = [1024, 128], strides = [1, 1]} : vector<1024x8192xf32> to vector<1024x128xf32>
    %add3A_95 = arith.addf %add3A_93, %slice3A_94 : vector<1024x128xf32>
    %lt3A_96 = arith.cmpf olt, %add3A_95, %min3A_86 : vector<1024x128xf32>
    %min3A_97 = arith.minimumf %min3A_86, %add3A_95 : vector<1024x128xf32>
    %jit3A_98 = arith.constant 7 : i32
    %broadcast_in_dim3A_99 = vector.broadcast %jit3A_98 : i32 to vector<1024x128xi32>
    %select_n3A_100 = arith.select %lt3A_96, %broadcast_in_dim3A_99, %select_n3A_89 : vector<1024x128xi1>, vector<1024x128xi32>
    %slice3A_101 = vector.extract_strided_slice %mul3A_12 {offsets = [0, 1024], sizes = [1, 128], strides = [1, 1]} : vector<1x8192xf32> to vector<1x128xf32>
    %add3A_102 = vector.broadcast %broadcast_in_dim3A : vector<1024x1xf32> to vector<1024x128xf32>
    %add3A_103 = vector.broadcast %slice3A_101 : vector<1x128xf32> to vector<1024x128xf32>
    %add3A_104 = arith.addf %add3A_102, %add3A_103 : vector<1024x128xf32>
    %slice3A_105 = vector.extract_strided_slice %dot_general3A_14 {offsets = [0, 1024], sizes = [1024, 128], strides = [1, 1]} : vector<1024x8192xf32> to vector<1024x128xf32>
    %add3A_106 = arith.addf %add3A_104, %slice3A_105 : vector<1024x128xf32>
    %lt3A_107 = arith.cmpf olt, %add3A_106, %min3A_97 : vector<1024x128xf32>
    %min3A_108 = arith.minimumf %min3A_97, %add3A_106 : vector<1024x128xf32>
    %jit3A_109 = arith.constant 8 : i32
    %broadcast_in_dim3A_110 = vector.broadcast %jit3A_109 : i32 to vector<1024x128xi32>
    %select_n3A_111 = arith.select %lt3A_107, %broadcast_in_dim3A_110, %select_n3A_100 : vector<1024x128xi1>, vector<1024x128xi32>
    %slice3A_112 = vector.extract_strided_slice %mul3A_12 {offsets = [0, 1152], sizes = [1, 128], strides = [1, 1]} : vector<1x8192xf32> to vector<1x128xf32>
    %add3A_113 = vector.broadcast %broadcast_in_dim3A : vector<1024x1xf32> to vector<1024x128xf32>
    %add3A_114 = vector.broadcast %slice3A_112 : vector<1x128xf32> to vector<1024x128xf32>
    %add3A_115 = arith.addf %add3A_113, %add3A_114 : vector<1024x128xf32>
    %slice3A_116 = vector.extract_strided_slice %dot_general3A_14 {offsets = [0, 1152], sizes = [1024, 128], strides = [1, 1]} : vector<1024x8192xf32> to vector<1024x128xf32>
    %add3A_117 = arith.addf %add3A_115, %slice3A_116 : vector<1024x128xf32>
    %lt3A_118 = arith.cmpf olt, %add3A_117, %min3A_108 : vector<1024x128xf32>
    %min3A_119 = arith.minimumf %min3A_108, %add3A_117 : vector<1024x128xf32>
    %jit3A_120 = arith.constant 9 : i32
    %broadcast_in_dim3A_121 = vector.broadcast %jit3A_120 : i32 to vector<1024x128xi32>
    %select_n3A_122 = arith.select %lt3A_118, %broadcast_in_dim3A_121, %select_n3A_111 : vector<1024x128xi1>, vector<1024x128xi32>
    %slice3A_123 = vector.extract_strided_slice %mul3A_12 {offsets = [0, 1280], sizes = [1, 128], strides = [1, 1]} : vector<1x8192xf32> to vector<1x128xf32>
    %add3A_124 = vector.broadcast %broadcast_in_dim3A : vector<1024x1xf32> to vector<1024x128xf32>
    %add3A_125 = vector.broadcast %slice3A_123 : vector<1x128xf32> to vector<1024x128xf32>
    %add3A_126 = arith.addf %add3A_124, %add3A_125 : vector<1024x128xf32>
    %slice3A_127 = vector.extract_strided_slice %dot_general3A_14 {offsets = [0, 1280], sizes = [1024, 128], strides = [1, 1]} : vector<1024x8192xf32> to vector<1024x128xf32>
    %add3A_128 = arith.addf %add3A_126, %slice3A_127 : vector<1024x128xf32>
    %lt3A_129 = arith.cmpf olt, %add3A_128, %min3A_119 : vector<1024x128xf32>
    %min3A_130 = arith.minimumf %min3A_119, %add3A_128 : vector<1024x128xf32>
    %jit3A_131 = arith.constant 10 : i32
    %broadcast_in_dim3A_132 = vector.broadcast %jit3A_131 : i32 to vector<1024x128xi32>
    %select_n3A_133 = arith.select %lt3A_129, %broadcast_in_dim3A_132, %select_n3A_122 : vector<1024x128xi1>, vector<1024x128xi32>
    %slice3A_134 = vector.extract_strided_slice %mul3A_12 {offsets = [0, 1408], sizes = [1, 128], strides = [1, 1]} : vector<1x8192xf32> to vector<1x128xf32>
    %add3A_135 = vector.broadcast %broadcast_in_dim3A : vector<1024x1xf32> to vector<1024x128xf32>
    %add3A_136 = vector.broadcast %slice3A_134 : vector<1x128xf32> to vector<1024x128xf32>
    %add3A_137 = arith.addf %add3A_135, %add3A_136 : vector<1024x128xf32>
    %slice3A_138 = vector.extract_strided_slice %dot_general3A_14 {offsets = [0, 1408], sizes = [1024, 128], strides = [1, 1]} : vector<1024x8192xf32> to vector<1024x128xf32>
    %add3A_139 = arith.addf %add3A_137, %slice3A_138 : vector<1024x128xf32>
    %lt3A_140 = arith.cmpf olt, %add3A_139, %min3A_130 : vector<1024x128xf32>
    %min3A_141 = arith.minimumf %min3A_130, %add3A_139 : vector<1024x128xf32>
    %jit3A_142 = arith.constant 11 : i32
    %broadcast_in_dim3A_143 = vector.broadcast %jit3A_142 : i32 to vector<1024x128xi32>
    %select_n3A_144 = arith.select %lt3A_140, %broadcast_in_dim3A_143, %select_n3A_133 : vector<1024x128xi1>, vector<1024x128xi32>
    %slice3A_145 = vector.extract_strided_slice %mul3A_12 {offsets = [0, 1536], sizes = [1, 128], strides = [1, 1]} : vector<1x8192xf32> to vector<1x128xf32>
    %add3A_146 = vector.broadcast %broadcast_in_dim3A : vector<1024x1xf32> to vector<1024x128xf32>
    %add3A_147 = vector.broadcast %slice3A_145 : vector<1x128xf32> to vector<1024x128xf32>
    %add3A_148 = arith.addf %add3A_146, %add3A_147 : vector<1024x128xf32>
    %slice3A_149 = vector.extract_strided_slice %dot_general3A_14 {offsets = [0, 1536], sizes = [1024, 128], strides = [1, 1]} : vector<1024x8192xf32> to vector<1024x128xf32>
    %add3A_150 = arith.addf %add3A_148, %slice3A_149 : vector<1024x128xf32>
    %lt3A_151 = arith.cmpf olt, %add3A_150, %min3A_141 : vector<1024x128xf32>
    %min3A_152 = arith.minimumf %min3A_141, %add3A_150 : vector<1024x128xf32>
    %jit3A_153 = arith.constant 12 : i32
    %broadcast_in_dim3A_154 = vector.broadcast %jit3A_153 : i32 to vector<1024x128xi32>
    %select_n3A_155 = arith.select %lt3A_151, %broadcast_in_dim3A_154, %select_n3A_144 : vector<1024x128xi1>, vector<1024x128xi32>
    %slice3A_156 = vector.extract_strided_slice %mul3A_12 {offsets = [0, 1664], sizes = [1, 128], strides = [1, 1]} : vector<1x8192xf32> to vector<1x128xf32>
    %add3A_157 = vector.broadcast %broadcast_in_dim3A : vector<1024x1xf32> to vector<1024x128xf32>
    %add3A_158 = vector.broadcast %slice3A_156 : vector<1x128xf32> to vector<1024x128xf32>
    %add3A_159 = arith.addf %add3A_157, %add3A_158 : vector<1024x128xf32>
    %slice3A_160 = vector.extract_strided_slice %dot_general3A_14 {offsets = [0, 1664], sizes = [1024, 128], strides = [1, 1]} : vector<1024x8192xf32> to vector<1024x128xf32>
    %add3A_161 = arith.addf %add3A_159, %slice3A_160 : vector<1024x128xf32>
    %lt3A_162 = arith.cmpf olt, %add3A_161, %min3A_152 : vector<1024x128xf32>
    %min3A_163 = arith.minimumf %min3A_152, %add3A_161 : vector<1024x128xf32>
    %jit3A_164 = arith.constant 13 : i32
    %broadcast_in_dim3A_165 = vector.broadcast %jit3A_164 : i32 to vector<1024x128xi32>
    %select_n3A_166 = arith.select %lt3A_162, %broadcast_in_dim3A_165, %select_n3A_155 : vector<1024x128xi1>, vector<1024x128xi32>
    %slice3A_167 = vector.extract_strided_slice %mul3A_12 {offsets = [0, 1792], sizes = [1, 128], strides = [1, 1]} : vector<1x8192xf32> to vector<1x128xf32>
    %add3A_168 = vector.broadcast %broadcast_in_dim3A : vector<1024x1xf32> to vector<1024x128xf32>
    %add3A_169 = vector.broadcast %slice3A_167 : vector<1x128xf32> to vector<1024x128xf32>
    %add3A_170 = arith.addf %add3A_168, %add3A_169 : vector<1024x128xf32>
    %slice3A_171 = vector.extract_strided_slice %dot_general3A_14 {offsets = [0, 1792], sizes = [1024, 128], strides = [1, 1]} : vector<1024x8192xf32> to vector<1024x128xf32>
    %add3A_172 = arith.addf %add3A_170, %slice3A_171 : vector<1024x128xf32>
    %lt3A_173 = arith.cmpf olt, %add3A_172, %min3A_163 : vector<1024x128xf32>
    %min3A_174 = arith.minimumf %min3A_163, %add3A_172 : vector<1024x128xf32>
    %jit3A_175 = arith.constant 14 : i32
    %broadcast_in_dim3A_176 = vector.broadcast %jit3A_175 : i32 to vector<1024x128xi32>
    %select_n3A_177 = arith.select %lt3A_173, %broadcast_in_dim3A_176, %select_n3A_166 : vector<1024x128xi1>, vector<1024x128xi32>
    %slice3A_178 = vector.extract_strided_slice %mul3A_12 {offsets = [0, 1920], sizes = [1, 128], strides = [1, 1]} : vector<1x8192xf32> to vector<1x128xf32>
    %add3A_179 = vector.broadcast %broadcast_in_dim3A : vector<1024x1xf32> to vector<1024x128xf32>
    %add3A_180 = vector.broadcast %slice3A_178 : vector<1x128xf32> to vector<1024x128xf32>
    %add3A_181 = arith.addf %add3A_179, %add3A_180 : vector<1024x128xf32>
    %slice3A_182 = vector.extract_strided_slice %dot_general3A_14 {offsets = [0, 1920], sizes = [1024, 128], strides = [1, 1]} : vector<1024x8192xf32> to vector<1024x128xf32>
    %add3A_183 = arith.addf %add3A_181, %slice3A_182 : vector<1024x128xf32>
    %lt3A_184 = arith.cmpf olt, %add3A_183, %min3A_174 : vector<1024x128xf32>
    %min3A_185 = arith.minimumf %min3A_174, %add3A_183 : vector<1024x128xf32>
    %jit3A_186 = arith.constant 15 : i32
    %broadcast_in_dim3A_187 = vector.broadcast %jit3A_186 : i32 to vector<1024x128xi32>
    %select_n3A_188 = arith.select %lt3A_184, %broadcast_in_dim3A_187, %select_n3A_177 : vector<1024x128xi1>, vector<1024x128xi32>
    %slice3A_189 = vector.extract_strided_slice %mul3A_12 {offsets = [0, 2048], sizes = [1, 128], strides = [1, 1]} : vector<1x8192xf32> to vector<1x128xf32>
    %add3A_190 = vector.broadcast %broadcast_in_dim3A : vector<1024x1xf32> to vector<1024x128xf32>
    %add3A_191 = vector.broadcast %slice3A_189 : vector<1x128xf32> to vector<1024x128xf32>
    %add3A_192 = arith.addf %add3A_190, %add3A_191 : vector<1024x128xf32>
    %slice3A_193 = vector.extract_strided_slice %dot_general3A_14 {offsets = [0, 2048], sizes = [1024, 128], strides = [1, 1]} : vector<1024x8192xf32> to vector<1024x128xf32>
    %add3A_194 = arith.addf %add3A_192, %slice3A_193 : vector<1024x128xf32>
    %lt3A_195 = arith.cmpf olt, %add3A_194, %min3A_185 : vector<1024x128xf32>
    %min3A_196 = arith.minimumf %min3A_185, %add3A_194 : vector<1024x128xf32>
    %jit3A_197 = arith.constant 16 : i32
    %broadcast_in_dim3A_198 = vector.broadcast %jit3A_197 : i32 to vector<1024x128xi32>
    %select_n3A_199 = arith.select %lt3A_195, %broadcast_in_dim3A_198, %select_n3A_188 : vector<1024x128xi1>, vector<1024x128xi32>
    %slice3A_200 = vector.extract_strided_slice %mul3A_12 {offsets = [0, 2176], sizes = [1, 128], strides = [1, 1]} : vector<1x8192xf32> to vector<1x128xf32>
    %add3A_201 = vector.broadcast %broadcast_in_dim3A : vector<1024x1xf32> to vector<1024x128xf32>
    %add3A_202 = vector.broadcast %slice3A_200 : vector<1x128xf32> to vector<1024x128xf32>
    %add3A_203 = arith.addf %add3A_201, %add3A_202 : vector<1024x128xf32>
    %slice3A_204 = vector.extract_strided_slice %dot_general3A_14 {offsets = [0, 2176], sizes = [1024, 128], strides = [1, 1]} : vector<1024x8192xf32> to vector<1024x128xf32>
    %add3A_205 = arith.addf %add3A_203, %slice3A_204 : vector<1024x128xf32>
    %lt3A_206 = arith.cmpf olt, %add3A_205, %min3A_196 : vector<1024x128xf32>
    %min3A_207 = arith.minimumf %min3A_196, %add3A_205 : vector<1024x128xf32>
    %jit3A_208 = arith.constant 17 : i32
    %broadcast_in_dim3A_209 = vector.broadcast %jit3A_208 : i32 to vector<1024x128xi32>
    %select_n3A_210 = arith.select %lt3A_206, %broadcast_in_dim3A_209, %select_n3A_199 : vector<1024x128xi1>, vector<1024x128xi32>
    %slice3A_211 = vector.extract_strided_slice %mul3A_12 {offsets = [0, 2304], sizes = [1, 128], strides = [1, 1]} : vector<1x8192xf32> to vector<1x128xf32>
    %add3A_212 = vector.broadcast %broadcast_in_dim3A : vector<1024x1xf32> to vector<1024x128xf32>
    %add3A_213 = vector.broadcast %slice3A_211 : vector<1x128xf32> to vector<1024x128xf32>
    %add3A_214 = arith.addf %add3A_212, %add3A_213 : vector<1024x128xf32>
    %slice3A_215 = vector.extract_strided_slice %dot_general3A_14 {offsets = [0, 2304], sizes = [1024, 128], strides = [1, 1]} : vector<1024x8192xf32> to vector<1024x128xf32>
    %add3A_216 = arith.addf %add3A_214, %slice3A_215 : vector<1024x128xf32>
    %lt3A_217 = arith.cmpf olt, %add3A_216, %min3A_207 : vector<1024x128xf32>
    %min3A_218 = arith.minimumf %min3A_207, %add3A_216 : vector<1024x128xf32>
    %jit3A_219 = arith.constant 18 : i32
    %broadcast_in_dim3A_220 = vector.broadcast %jit3A_219 : i32 to vector<1024x128xi32>
    %select_n3A_221 = arith.select %lt3A_217, %broadcast_in_dim3A_220, %select_n3A_210 : vector<1024x128xi1>, vector<1024x128xi32>
    %slice3A_222 = vector.extract_strided_slice %mul3A_12 {offsets = [0, 2432], sizes = [1, 128], strides = [1, 1]} : vector<1x8192xf32> to vector<1x128xf32>
    %add3A_223 = vector.broadcast %broadcast_in_dim3A : vector<1024x1xf32> to vector<1024x128xf32>
    %add3A_224 = vector.broadcast %slice3A_222 : vector<1x128xf32> to vector<1024x128xf32>
    %add3A_225 = arith.addf %add3A_223, %add3A_224 : vector<1024x128xf32>
    %slice3A_226 = vector.extract_strided_slice %dot_general3A_14 {offsets = [0, 2432], sizes = [1024, 128], strides = [1, 1]} : vector<1024x8192xf32> to vector<1024x128xf32>
    %add3A_227 = arith.addf %add3A_225, %slice3A_226 : vector<1024x128xf32>
    %lt3A_228 = arith.cmpf olt, %add3A_227, %min3A_218 : vector<1024x128xf32>
    %min3A_229 = arith.minimumf %min3A_218, %add3A_227 : vector<1024x128xf32>
    %jit3A_230 = arith.constant 19 : i32
    %broadcast_in_dim3A_231 = vector.broadcast %jit3A_230 : i32 to vector<1024x128xi32>
    %select_n3A_232 = arith.select %lt3A_228, %broadcast_in_dim3A_231, %select_n3A_221 : vector<1024x128xi1>, vector<1024x128xi32>
    %slice3A_233 = vector.extract_strided_slice %mul3A_12 {offsets = [0, 2560], sizes = [1, 128], strides = [1, 1]} : vector<1x8192xf32> to vector<1x128xf32>
    %add3A_234 = vector.broadcast %broadcast_in_dim3A : vector<1024x1xf32> to vector<1024x128xf32>
    %add3A_235 = vector.broadcast %slice3A_233 : vector<1x128xf32> to vector<1024x128xf32>
    %add3A_236 = arith.addf %add3A_234, %add3A_235 : vector<1024x128xf32>
    %slice3A_237 = vector.extract_strided_slice %dot_general3A_14 {offsets = [0, 2560], sizes = [1024, 128], strides = [1, 1]} : vector<1024x8192xf32> to vector<1024x128xf32>
    %add3A_238 = arith.addf %add3A_236, %slice3A_237 : vector<1024x128xf32>
    %lt3A_239 = arith.cmpf olt, %add3A_238, %min3A_229 : vector<1024x128xf32>
    %min3A_240 = arith.minimumf %min3A_229, %add3A_238 : vector<1024x128xf32>
    %jit3A_241 = arith.constant 20 : i32
    %broadcast_in_dim3A_242 = vector.broadcast %jit3A_241 : i32 to vector<1024x128xi32>
    %select_n3A_243 = arith.select %lt3A_239, %broadcast_in_dim3A_242, %select_n3A_232 : vector<1024x128xi1>, vector<1024x128xi32>
    %slice3A_244 = vector.extract_strided_slice %mul3A_12 {offsets = [0, 2688], sizes = [1, 128], strides = [1, 1]} : vector<1x8192xf32> to vector<1x128xf32>
    %add3A_245 = vector.broadcast %broadcast_in_dim3A : vector<1024x1xf32> to vector<1024x128xf32>
    %add3A_246 = vector.broadcast %slice3A_244 : vector<1x128xf32> to vector<1024x128xf32>
    %add3A_247 = arith.addf %add3A_245, %add3A_246 : vector<1024x128xf32>
    %slice3A_248 = vector.extract_strided_slice %dot_general3A_14 {offsets = [0, 2688], sizes = [1024, 128], strides = [1, 1]} : vector<1024x8192xf32> to vector<1024x128xf32>
    %add3A_249 = arith.addf %add3A_247, %slice3A_248 : vector<1024x128xf32>
    %lt3A_250 = arith.cmpf olt, %add3A_249, %min3A_240 : vector<1024x128xf32>
    %min3A_251 = arith.minimumf %min3A_240, %add3A_249 : vector<1024x128xf32>
    %jit3A_252 = arith.constant 21 : i32
    %broadcast_in_dim3A_253 = vector.broadcast %jit3A_252 : i32 to vector<1024x128xi32>
    %select_n3A_254 = arith.select %lt3A_250, %broadcast_in_dim3A_253, %select_n3A_243 : vector<1024x128xi1>, vector<1024x128xi32>
    %slice3A_255 = vector.extract_strided_slice %mul3A_12 {offsets = [0, 2816], sizes = [1, 128], strides = [1, 1]} : vector<1x8192xf32> to vector<1x128xf32>
    %add3A_256 = vector.broadcast %broadcast_in_dim3A : vector<1024x1xf32> to vector<1024x128xf32>
    %add3A_257 = vector.broadcast %slice3A_255 : vector<1x128xf32> to vector<1024x128xf32>
    %add3A_258 = arith.addf %add3A_256, %add3A_257 : vector<1024x128xf32>
    %slice3A_259 = vector.extract_strided_slice %dot_general3A_14 {offsets = [0, 2816], sizes = [1024, 128], strides = [1, 1]} : vector<1024x8192xf32> to vector<1024x128xf32>
    %add3A_260 = arith.addf %add3A_258, %slice3A_259 : vector<1024x128xf32>
    %lt3A_261 = arith.cmpf olt, %add3A_260, %min3A_251 : vector<1024x128xf32>
    %min3A_262 = arith.minimumf %min3A_251, %add3A_260 : vector<1024x128xf32>
    %jit3A_263 = arith.constant 22 : i32
    %broadcast_in_dim3A_264 = vector.broadcast %jit3A_263 : i32 to vector<1024x128xi32>
    %select_n3A_265 = arith.select %lt3A_261, %broadcast_in_dim3A_264, %select_n3A_254 : vector<1024x128xi1>, vector<1024x128xi32>
    %slice3A_266 = vector.extract_strided_slice %mul3A_12 {offsets = [0, 2944], sizes = [1, 128], strides = [1, 1]} : vector<1x8192xf32> to vector<1x128xf32>
    %add3A_267 = vector.broadcast %broadcast_in_dim3A : vector<1024x1xf32> to vector<1024x128xf32>
    %add3A_268 = vector.broadcast %slice3A_266 : vector<1x128xf32> to vector<1024x128xf32>
    %add3A_269 = arith.addf %add3A_267, %add3A_268 : vector<1024x128xf32>
    %slice3A_270 = vector.extract_strided_slice %dot_general3A_14 {offsets = [0, 2944], sizes = [1024, 128], strides = [1, 1]} : vector<1024x8192xf32> to vector<1024x128xf32>
    %add3A_271 = arith.addf %add3A_269, %slice3A_270 : vector<1024x128xf32>
    %lt3A_272 = arith.cmpf olt, %add3A_271, %min3A_262 : vector<1024x128xf32>
    %min3A_273 = arith.minimumf %min3A_262, %add3A_271 : vector<1024x128xf32>
    %jit3A_274 = arith.constant 23 : i32
    %broadcast_in_dim3A_275 = vector.broadcast %jit3A_274 : i32 to vector<1024x128xi32>
    %select_n3A_276 = arith.select %lt3A_272, %broadcast_in_dim3A_275, %select_n3A_265 : vector<1024x128xi1>, vector<1024x128xi32>
    %slice3A_277 = vector.extract_strided_slice %mul3A_12 {offsets = [0, 3072], sizes = [1, 128], strides = [1, 1]} : vector<1x8192xf32> to vector<1x128xf32>
    %add3A_278 = vector.broadcast %broadcast_in_dim3A : vector<1024x1xf32> to vector<1024x128xf32>
    %add3A_279 = vector.broadcast %slice3A_277 : vector<1x128xf32> to vector<1024x128xf32>
    %add3A_280 = arith.addf %add3A_278, %add3A_279 : vector<1024x128xf32>
    %slice3A_281 = vector.extract_strided_slice %dot_general3A_14 {offsets = [0, 3072], sizes = [1024, 128], strides = [1, 1]} : vector<1024x8192xf32> to vector<1024x128xf32>
    %add3A_282 = arith.addf %add3A_280, %slice3A_281 : vector<1024x128xf32>
    %lt3A_283 = arith.cmpf olt, %add3A_282, %min3A_273 : vector<1024x128xf32>
    %min3A_284 = arith.minimumf %min3A_273, %add3A_282 : vector<1024x128xf32>
    %jit3A_285 = arith.constant 24 : i32
    %broadcast_in_dim3A_286 = vector.broadcast %jit3A_285 : i32 to vector<1024x128xi32>
    %select_n3A_287 = arith.select %lt3A_283, %broadcast_in_dim3A_286, %select_n3A_276 : vector<1024x128xi1>, vector<1024x128xi32>
    %slice3A_288 = vector.extract_strided_slice %mul3A_12 {offsets = [0, 3200], sizes = [1, 128], strides = [1, 1]} : vector<1x8192xf32> to vector<1x128xf32>
    %add3A_289 = vector.broadcast %broadcast_in_dim3A : vector<1024x1xf32> to vector<1024x128xf32>
    %add3A_290 = vector.broadcast %slice3A_288 : vector<1x128xf32> to vector<1024x128xf32>
    %add3A_291 = arith.addf %add3A_289, %add3A_290 : vector<1024x128xf32>
    %slice3A_292 = vector.extract_strided_slice %dot_general3A_14 {offsets = [0, 3200], sizes = [1024, 128], strides = [1, 1]} : vector<1024x8192xf32> to vector<1024x128xf32>
    %add3A_293 = arith.addf %add3A_291, %slice3A_292 : vector<1024x128xf32>
    %lt3A_294 = arith.cmpf olt, %add3A_293, %min3A_284 : vector<1024x128xf32>
    %min3A_295 = arith.minimumf %min3A_284, %add3A_293 : vector<1024x128xf32>
    %jit3A_296 = arith.constant 25 : i32
    %broadcast_in_dim3A_297 = vector.broadcast %jit3A_296 : i32 to vector<1024x128xi32>
    %select_n3A_298 = arith.select %lt3A_294, %broadcast_in_dim3A_297, %select_n3A_287 : vector<1024x128xi1>, vector<1024x128xi32>
    %slice3A_299 = vector.extract_strided_slice %mul3A_12 {offsets = [0, 3328], sizes = [1, 128], strides = [1, 1]} : vector<1x8192xf32> to vector<1x128xf32>
    %add3A_300 = vector.broadcast %broadcast_in_dim3A : vector<1024x1xf32> to vector<1024x128xf32>
    %add3A_301 = vector.broadcast %slice3A_299 : vector<1x128xf32> to vector<1024x128xf32>
    %add3A_302 = arith.addf %add3A_300, %add3A_301 : vector<1024x128xf32>
    %slice3A_303 = vector.extract_strided_slice %dot_general3A_14 {offsets = [0, 3328], sizes = [1024, 128], strides = [1, 1]} : vector<1024x8192xf32> to vector<1024x128xf32>
    %add3A_304 = arith.addf %add3A_302, %slice3A_303 : vector<1024x128xf32>
    %lt3A_305 = arith.cmpf olt, %add3A_304, %min3A_295 : vector<1024x128xf32>
    %min3A_306 = arith.minimumf %min3A_295, %add3A_304 : vector<1024x128xf32>
    %jit3A_307 = arith.constant 26 : i32
    %broadcast_in_dim3A_308 = vector.broadcast %jit3A_307 : i32 to vector<1024x128xi32>
    %select_n3A_309 = arith.select %lt3A_305, %broadcast_in_dim3A_308, %select_n3A_298 : vector<1024x128xi1>, vector<1024x128xi32>
    %slice3A_310 = vector.extract_strided_slice %mul3A_12 {offsets = [0, 3456], sizes = [1, 128], strides = [1, 1]} : vector<1x8192xf32> to vector<1x128xf32>
    %add3A_311 = vector.broadcast %broadcast_in_dim3A : vector<1024x1xf32> to vector<1024x128xf32>
    %add3A_312 = vector.broadcast %slice3A_310 : vector<1x128xf32> to vector<1024x128xf32>
    %add3A_313 = arith.addf %add3A_311, %add3A_312 : vector<1024x128xf32>
    %slice3A_314 = vector.extract_strided_slice %dot_general3A_14 {offsets = [0, 3456], sizes = [1024, 128], strides = [1, 1]} : vector<1024x8192xf32> to vector<1024x128xf32>
    %add3A_315 = arith.addf %add3A_313, %slice3A_314 : vector<1024x128xf32>
    %lt3A_316 = arith.cmpf olt, %add3A_315, %min3A_306 : vector<1024x128xf32>
    %min3A_317 = arith.minimumf %min3A_306, %add3A_315 : vector<1024x128xf32>
    %jit3A_318 = arith.constant 27 : i32
    %broadcast_in_dim3A_319 = vector.broadcast %jit3A_318 : i32 to vector<1024x128xi32>
    %select_n3A_320 = arith.select %lt3A_316, %broadcast_in_dim3A_319, %select_n3A_309 : vector<1024x128xi1>, vector<1024x128xi32>
    %slice3A_321 = vector.extract_strided_slice %mul3A_12 {offsets = [0, 3584], sizes = [1, 128], strides = [1, 1]} : vector<1x8192xf32> to vector<1x128xf32>
    %add3A_322 = vector.broadcast %broadcast_in_dim3A : vector<1024x1xf32> to vector<1024x128xf32>
    %add3A_323 = vector.broadcast %slice3A_321 : vector<1x128xf32> to vector<1024x128xf32>
    %add3A_324 = arith.addf %add3A_322, %add3A_323 : vector<1024x128xf32>
    %slice3A_325 = vector.extract_strided_slice %dot_general3A_14 {offsets = [0, 3584], sizes = [1024, 128], strides = [1, 1]} : vector<1024x8192xf32> to vector<1024x128xf32>
    %add3A_326 = arith.addf %add3A_324, %slice3A_325 : vector<1024x128xf32>
    %lt3A_327 = arith.cmpf olt, %add3A_326, %min3A_317 : vector<1024x128xf32>
    %min3A_328 = arith.minimumf %min3A_317, %add3A_326 : vector<1024x128xf32>
    %jit3A_329 = arith.constant 28 : i32
    %broadcast_in_dim3A_330 = vector.broadcast %jit3A_329 : i32 to vector<1024x128xi32>
    %select_n3A_331 = arith.select %lt3A_327, %broadcast_in_dim3A_330, %select_n3A_320 : vector<1024x128xi1>, vector<1024x128xi32>
    %slice3A_332 = vector.extract_strided_slice %mul3A_12 {offsets = [0, 3712], sizes = [1, 128], strides = [1, 1]} : vector<1x8192xf32> to vector<1x128xf32>
    %add3A_333 = vector.broadcast %broadcast_in_dim3A : vector<1024x1xf32> to vector<1024x128xf32>
    %add3A_334 = vector.broadcast %slice3A_332 : vector<1x128xf32> to vector<1024x128xf32>
    %add3A_335 = arith.addf %add3A_333, %add3A_334 : vector<1024x128xf32>
    %slice3A_336 = vector.extract_strided_slice %dot_general3A_14 {offsets = [0, 3712], sizes = [1024, 128], strides = [1, 1]} : vector<1024x8192xf32> to vector<1024x128xf32>
    %add3A_337 = arith.addf %add3A_335, %slice3A_336 : vector<1024x128xf32>
    %lt3A_338 = arith.cmpf olt, %add3A_337, %min3A_328 : vector<1024x128xf32>
    %min3A_339 = arith.minimumf %min3A_328, %add3A_337 : vector<1024x128xf32>
    %jit3A_340 = arith.constant 29 : i32
    %broadcast_in_dim3A_341 = vector.broadcast %jit3A_340 : i32 to vector<1024x128xi32>
    %select_n3A_342 = arith.select %lt3A_338, %broadcast_in_dim3A_341, %select_n3A_331 : vector<1024x128xi1>, vector<1024x128xi32>
    %slice3A_343 = vector.extract_strided_slice %mul3A_12 {offsets = [0, 3840], sizes = [1, 128], strides = [1, 1]} : vector<1x8192xf32> to vector<1x128xf32>
    %add3A_344 = vector.broadcast %broadcast_in_dim3A : vector<1024x1xf32> to vector<1024x128xf32>
    %add3A_345 = vector.broadcast %slice3A_343 : vector<1x128xf32> to vector<1024x128xf32>
    %add3A_346 = arith.addf %add3A_344, %add3A_345 : vector<1024x128xf32>
    %slice3A_347 = vector.extract_strided_slice %dot_general3A_14 {offsets = [0, 3840], sizes = [1024, 128], strides = [1, 1]} : vector<1024x8192xf32> to vector<1024x128xf32>
    %add3A_348 = arith.addf %add3A_346, %slice3A_347 : vector<1024x128xf32>
    %lt3A_349 = arith.cmpf olt, %add3A_348, %min3A_339 : vector<1024x128xf32>
    %min3A_350 = arith.minimumf %min3A_339, %add3A_348 : vector<1024x128xf32>
    %jit3A_351 = arith.constant 30 : i32
    %broadcast_in_dim3A_352 = vector.broadcast %jit3A_351 : i32 to vector<1024x128xi32>
    %select_n3A_353 = arith.select %lt3A_349, %broadcast_in_dim3A_352, %select_n3A_342 : vector<1024x128xi1>, vector<1024x128xi32>
    %slice3A_354 = vector.extract_strided_slice %mul3A_12 {offsets = [0, 3968], sizes = [1, 128], strides = [1, 1]} : vector<1x8192xf32> to vector<1x128xf32>
    %add3A_355 = vector.broadcast %broadcast_in_dim3A : vector<1024x1xf32> to vector<1024x128xf32>
    %add3A_356 = vector.broadcast %slice3A_354 : vector<1x128xf32> to vector<1024x128xf32>
    %add3A_357 = arith.addf %add3A_355, %add3A_356 : vector<1024x128xf32>
    %slice3A_358 = vector.extract_strided_slice %dot_general3A_14 {offsets = [0, 3968], sizes = [1024, 128], strides = [1, 1]} : vector<1024x8192xf32> to vector<1024x128xf32>
    %add3A_359 = arith.addf %add3A_357, %slice3A_358 : vector<1024x128xf32>
    %lt3A_360 = arith.cmpf olt, %add3A_359, %min3A_350 : vector<1024x128xf32>
    %min3A_361 = arith.minimumf %min3A_350, %add3A_359 : vector<1024x128xf32>
    %jit3A_362 = arith.constant 31 : i32
    %broadcast_in_dim3A_363 = vector.broadcast %jit3A_362 : i32 to vector<1024x128xi32>
    %select_n3A_364 = arith.select %lt3A_360, %broadcast_in_dim3A_363, %select_n3A_353 : vector<1024x128xi1>, vector<1024x128xi32>
    %mul3A_365 = arith.constant 128 : i32
    %mul3A_366 = vector.broadcast %mul3A_365 : i32 to vector<1024x128xi32>
    %mul3A_367 = arith.muli %select_n3A_364, %mul3A_366 : vector<1024x128xi32>
    %iota3A = tpu.iota {dimensions = array<i32: 1>} : vector<1024x128xi32>
    %add3A_368 = arith.addi %mul3A_367, %iota3A : vector<1024x128xi32>
    %reduce_min3A = arith.constant dense<0x7F800000> : vector<1024xf32>
    %reduce_min3A_369 = vector.multi_reduction <minimumf>, %min3A_361, %reduce_min3A [1] : vector<1024x128xf32> to vector<1024xf32>
    %broadcast_in_dim3A_370 = vector.shape_cast %reduce_min3A_369 : vector<1024xf32> to vector<1024x1xf32>
    %le3A = vector.broadcast %broadcast_in_dim3A_370 : vector<1024x1xf32> to vector<1024x128xf32>
    %le3A_371 = arith.cmpf ole, %min3A_361, %le3A : vector<1024x128xf32>
    %jit3A_372 = arith.constant 8192 : i32
    %broadcast_in_dim3A_373 = vector.broadcast %jit3A_372 : i32 to vector<1024x128xi32>
    %select_n3A_374 = arith.select %le3A_371, %add3A_368, %broadcast_in_dim3A_373 : vector<1024x128xi1>, vector<1024x128xi32>
    %reduce_min3A_375 = arith.constant dense<2147483647> : vector<1024xi32>
    %reduce_min3A_376 = vector.multi_reduction <minsi>, %select_n3A_374, %reduce_min3A_375 [1] : vector<1024x128xi32> to vector<1024xi32>
    %broadcast_in_dim3A_377 = arith.constant 0x7F800000 : f32
    %broadcast_in_dim3A_378 = vector.broadcast %broadcast_in_dim3A_377 : f32 to vector<1024x128xf32>
    %broadcast_in_dim3A_379 = arith.constant 0 : i32
    %broadcast_in_dim3A_380 = vector.broadcast %broadcast_in_dim3A_379 : i32 to vector<1024x128xi32>
    %slice3A_381 = vector.extract_strided_slice %mul3A_12 {offsets = [0, 4096], sizes = [1, 128], strides = [1, 1]} : vector<1x8192xf32> to vector<1x128xf32>
    %add3A_382 = vector.broadcast %broadcast_in_dim3A : vector<1024x1xf32> to vector<1024x128xf32>
    %add3A_383 = vector.broadcast %slice3A_381 : vector<1x128xf32> to vector<1024x128xf32>
    %add3A_384 = arith.addf %add3A_382, %add3A_383 : vector<1024x128xf32>
    %slice3A_385 = vector.extract_strided_slice %dot_general3A_14 {offsets = [0, 4096], sizes = [1024, 128], strides = [1, 1]} : vector<1024x8192xf32> to vector<1024x128xf32>
    %add3A_386 = arith.addf %add3A_384, %slice3A_385 : vector<1024x128xf32>
    %lt3A_387 = arith.cmpf olt, %add3A_386, %broadcast_in_dim3A_378 : vector<1024x128xf32>
    %min3A_388 = arith.minimumf %broadcast_in_dim3A_378, %add3A_386 : vector<1024x128xf32>
    %jit3A_389 = arith.constant 32 : i32
    %broadcast_in_dim3A_390 = vector.broadcast %jit3A_389 : i32 to vector<1024x128xi32>
    %select_n3A_391 = arith.select %lt3A_387, %broadcast_in_dim3A_390, %broadcast_in_dim3A_380 : vector<1024x128xi1>, vector<1024x128xi32>
    %slice3A_392 = vector.extract_strided_slice %mul3A_12 {offsets = [0, 4224], sizes = [1, 128], strides = [1, 1]} : vector<1x8192xf32> to vector<1x128xf32>
    %add3A_393 = vector.broadcast %broadcast_in_dim3A : vector<1024x1xf32> to vector<1024x128xf32>
    %add3A_394 = vector.broadcast %slice3A_392 : vector<1x128xf32> to vector<1024x128xf32>
    %add3A_395 = arith.addf %add3A_393, %add3A_394 : vector<1024x128xf32>
    %slice3A_396 = vector.extract_strided_slice %dot_general3A_14 {offsets = [0, 4224], sizes = [1024, 128], strides = [1, 1]} : vector<1024x8192xf32> to vector<1024x128xf32>
    %add3A_397 = arith.addf %add3A_395, %slice3A_396 : vector<1024x128xf32>
    %lt3A_398 = arith.cmpf olt, %add3A_397, %min3A_388 : vector<1024x128xf32>
    %min3A_399 = arith.minimumf %min3A_388, %add3A_397 : vector<1024x128xf32>
    %jit3A_400 = arith.constant 33 : i32
    %broadcast_in_dim3A_401 = vector.broadcast %jit3A_400 : i32 to vector<1024x128xi32>
    %select_n3A_402 = arith.select %lt3A_398, %broadcast_in_dim3A_401, %select_n3A_391 : vector<1024x128xi1>, vector<1024x128xi32>
    %slice3A_403 = vector.extract_strided_slice %mul3A_12 {offsets = [0, 4352], sizes = [1, 128], strides = [1, 1]} : vector<1x8192xf32> to vector<1x128xf32>
    %add3A_404 = vector.broadcast %broadcast_in_dim3A : vector<1024x1xf32> to vector<1024x128xf32>
    %add3A_405 = vector.broadcast %slice3A_403 : vector<1x128xf32> to vector<1024x128xf32>
    %add3A_406 = arith.addf %add3A_404, %add3A_405 : vector<1024x128xf32>
    %slice3A_407 = vector.extract_strided_slice %dot_general3A_14 {offsets = [0, 4352], sizes = [1024, 128], strides = [1, 1]} : vector<1024x8192xf32> to vector<1024x128xf32>
    %add3A_408 = arith.addf %add3A_406, %slice3A_407 : vector<1024x128xf32>
    %lt3A_409 = arith.cmpf olt, %add3A_408, %min3A_399 : vector<1024x128xf32>
    %min3A_410 = arith.minimumf %min3A_399, %add3A_408 : vector<1024x128xf32>
    %jit3A_411 = arith.constant 34 : i32
    %broadcast_in_dim3A_412 = vector.broadcast %jit3A_411 : i32 to vector<1024x128xi32>
    %select_n3A_413 = arith.select %lt3A_409, %broadcast_in_dim3A_412, %select_n3A_402 : vector<1024x128xi1>, vector<1024x128xi32>
    %slice3A_414 = vector.extract_strided_slice %mul3A_12 {offsets = [0, 4480], sizes = [1, 128], strides = [1, 1]} : vector<1x8192xf32> to vector<1x128xf32>
    %add3A_415 = vector.broadcast %broadcast_in_dim3A : vector<1024x1xf32> to vector<1024x128xf32>
    %add3A_416 = vector.broadcast %slice3A_414 : vector<1x128xf32> to vector<1024x128xf32>
    %add3A_417 = arith.addf %add3A_415, %add3A_416 : vector<1024x128xf32>
    %slice3A_418 = vector.extract_strided_slice %dot_general3A_14 {offsets = [0, 4480], sizes = [1024, 128], strides = [1, 1]} : vector<1024x8192xf32> to vector<1024x128xf32>
    %add3A_419 = arith.addf %add3A_417, %slice3A_418 : vector<1024x128xf32>
    %lt3A_420 = arith.cmpf olt, %add3A_419, %min3A_410 : vector<1024x128xf32>
    %min3A_421 = arith.minimumf %min3A_410, %add3A_419 : vector<1024x128xf32>
    %jit3A_422 = arith.constant 35 : i32
    %broadcast_in_dim3A_423 = vector.broadcast %jit3A_422 : i32 to vector<1024x128xi32>
    %select_n3A_424 = arith.select %lt3A_420, %broadcast_in_dim3A_423, %select_n3A_413 : vector<1024x128xi1>, vector<1024x128xi32>
    %slice3A_425 = vector.extract_strided_slice %mul3A_12 {offsets = [0, 4608], sizes = [1, 128], strides = [1, 1]} : vector<1x8192xf32> to vector<1x128xf32>
    %add3A_426 = vector.broadcast %broadcast_in_dim3A : vector<1024x1xf32> to vector<1024x128xf32>
    %add3A_427 = vector.broadcast %slice3A_425 : vector<1x128xf32> to vector<1024x128xf32>
    %add3A_428 = arith.addf %add3A_426, %add3A_427 : vector<1024x128xf32>
    %slice3A_429 = vector.extract_strided_slice %dot_general3A_14 {offsets = [0, 4608], sizes = [1024, 128], strides = [1, 1]} : vector<1024x8192xf32> to vector<1024x128xf32>
    %add3A_430 = arith.addf %add3A_428, %slice3A_429 : vector<1024x128xf32>
    %lt3A_431 = arith.cmpf olt, %add3A_430, %min3A_421 : vector<1024x128xf32>
    %min3A_432 = arith.minimumf %min3A_421, %add3A_430 : vector<1024x128xf32>
    %jit3A_433 = arith.constant 36 : i32
    %broadcast_in_dim3A_434 = vector.broadcast %jit3A_433 : i32 to vector<1024x128xi32>
    %select_n3A_435 = arith.select %lt3A_431, %broadcast_in_dim3A_434, %select_n3A_424 : vector<1024x128xi1>, vector<1024x128xi32>
    %slice3A_436 = vector.extract_strided_slice %mul3A_12 {offsets = [0, 4736], sizes = [1, 128], strides = [1, 1]} : vector<1x8192xf32> to vector<1x128xf32>
    %add3A_437 = vector.broadcast %broadcast_in_dim3A : vector<1024x1xf32> to vector<1024x128xf32>
    %add3A_438 = vector.broadcast %slice3A_436 : vector<1x128xf32> to vector<1024x128xf32>
    %add3A_439 = arith.addf %add3A_437, %add3A_438 : vector<1024x128xf32>
    %slice3A_440 = vector.extract_strided_slice %dot_general3A_14 {offsets = [0, 4736], sizes = [1024, 128], strides = [1, 1]} : vector<1024x8192xf32> to vector<1024x128xf32>
    %add3A_441 = arith.addf %add3A_439, %slice3A_440 : vector<1024x128xf32>
    %lt3A_442 = arith.cmpf olt, %add3A_441, %min3A_432 : vector<1024x128xf32>
    %min3A_443 = arith.minimumf %min3A_432, %add3A_441 : vector<1024x128xf32>
    %jit3A_444 = arith.constant 37 : i32
    %broadcast_in_dim3A_445 = vector.broadcast %jit3A_444 : i32 to vector<1024x128xi32>
    %select_n3A_446 = arith.select %lt3A_442, %broadcast_in_dim3A_445, %select_n3A_435 : vector<1024x128xi1>, vector<1024x128xi32>
    %slice3A_447 = vector.extract_strided_slice %mul3A_12 {offsets = [0, 4864], sizes = [1, 128], strides = [1, 1]} : vector<1x8192xf32> to vector<1x128xf32>
    %add3A_448 = vector.broadcast %broadcast_in_dim3A : vector<1024x1xf32> to vector<1024x128xf32>
    %add3A_449 = vector.broadcast %slice3A_447 : vector<1x128xf32> to vector<1024x128xf32>
    %add3A_450 = arith.addf %add3A_448, %add3A_449 : vector<1024x128xf32>
    %slice3A_451 = vector.extract_strided_slice %dot_general3A_14 {offsets = [0, 4864], sizes = [1024, 128], strides = [1, 1]} : vector<1024x8192xf32> to vector<1024x128xf32>
    %add3A_452 = arith.addf %add3A_450, %slice3A_451 : vector<1024x128xf32>
    %lt3A_453 = arith.cmpf olt, %add3A_452, %min3A_443 : vector<1024x128xf32>
    %min3A_454 = arith.minimumf %min3A_443, %add3A_452 : vector<1024x128xf32>
    %jit3A_455 = arith.constant 38 : i32
    %broadcast_in_dim3A_456 = vector.broadcast %jit3A_455 : i32 to vector<1024x128xi32>
    %select_n3A_457 = arith.select %lt3A_453, %broadcast_in_dim3A_456, %select_n3A_446 : vector<1024x128xi1>, vector<1024x128xi32>
    %slice3A_458 = vector.extract_strided_slice %mul3A_12 {offsets = [0, 4992], sizes = [1, 128], strides = [1, 1]} : vector<1x8192xf32> to vector<1x128xf32>
    %add3A_459 = vector.broadcast %broadcast_in_dim3A : vector<1024x1xf32> to vector<1024x128xf32>
    %add3A_460 = vector.broadcast %slice3A_458 : vector<1x128xf32> to vector<1024x128xf32>
    %add3A_461 = arith.addf %add3A_459, %add3A_460 : vector<1024x128xf32>
    %slice3A_462 = vector.extract_strided_slice %dot_general3A_14 {offsets = [0, 4992], sizes = [1024, 128], strides = [1, 1]} : vector<1024x8192xf32> to vector<1024x128xf32>
    %add3A_463 = arith.addf %add3A_461, %slice3A_462 : vector<1024x128xf32>
    %lt3A_464 = arith.cmpf olt, %add3A_463, %min3A_454 : vector<1024x128xf32>
    %min3A_465 = arith.minimumf %min3A_454, %add3A_463 : vector<1024x128xf32>
    %jit3A_466 = arith.constant 39 : i32
    %broadcast_in_dim3A_467 = vector.broadcast %jit3A_466 : i32 to vector<1024x128xi32>
    %select_n3A_468 = arith.select %lt3A_464, %broadcast_in_dim3A_467, %select_n3A_457 : vector<1024x128xi1>, vector<1024x128xi32>
    %slice3A_469 = vector.extract_strided_slice %mul3A_12 {offsets = [0, 5120], sizes = [1, 128], strides = [1, 1]} : vector<1x8192xf32> to vector<1x128xf32>
    %add3A_470 = vector.broadcast %broadcast_in_dim3A : vector<1024x1xf32> to vector<1024x128xf32>
    %add3A_471 = vector.broadcast %slice3A_469 : vector<1x128xf32> to vector<1024x128xf32>
    %add3A_472 = arith.addf %add3A_470, %add3A_471 : vector<1024x128xf32>
    %slice3A_473 = vector.extract_strided_slice %dot_general3A_14 {offsets = [0, 5120], sizes = [1024, 128], strides = [1, 1]} : vector<1024x8192xf32> to vector<1024x128xf32>
    %add3A_474 = arith.addf %add3A_472, %slice3A_473 : vector<1024x128xf32>
    %lt3A_475 = arith.cmpf olt, %add3A_474, %min3A_465 : vector<1024x128xf32>
    %min3A_476 = arith.minimumf %min3A_465, %add3A_474 : vector<1024x128xf32>
    %jit3A_477 = arith.constant 40 : i32
    %broadcast_in_dim3A_478 = vector.broadcast %jit3A_477 : i32 to vector<1024x128xi32>
    %select_n3A_479 = arith.select %lt3A_475, %broadcast_in_dim3A_478, %select_n3A_468 : vector<1024x128xi1>, vector<1024x128xi32>
    %slice3A_480 = vector.extract_strided_slice %mul3A_12 {offsets = [0, 5248], sizes = [1, 128], strides = [1, 1]} : vector<1x8192xf32> to vector<1x128xf32>
    %add3A_481 = vector.broadcast %broadcast_in_dim3A : vector<1024x1xf32> to vector<1024x128xf32>
    %add3A_482 = vector.broadcast %slice3A_480 : vector<1x128xf32> to vector<1024x128xf32>
    %add3A_483 = arith.addf %add3A_481, %add3A_482 : vector<1024x128xf32>
    %slice3A_484 = vector.extract_strided_slice %dot_general3A_14 {offsets = [0, 5248], sizes = [1024, 128], strides = [1, 1]} : vector<1024x8192xf32> to vector<1024x128xf32>
    %add3A_485 = arith.addf %add3A_483, %slice3A_484 : vector<1024x128xf32>
    %lt3A_486 = arith.cmpf olt, %add3A_485, %min3A_476 : vector<1024x128xf32>
    %min3A_487 = arith.minimumf %min3A_476, %add3A_485 : vector<1024x128xf32>
    %jit3A_488 = arith.constant 41 : i32
    %broadcast_in_dim3A_489 = vector.broadcast %jit3A_488 : i32 to vector<1024x128xi32>
    %select_n3A_490 = arith.select %lt3A_486, %broadcast_in_dim3A_489, %select_n3A_479 : vector<1024x128xi1>, vector<1024x128xi32>
    %slice3A_491 = vector.extract_strided_slice %mul3A_12 {offsets = [0, 5376], sizes = [1, 128], strides = [1, 1]} : vector<1x8192xf32> to vector<1x128xf32>
    %add3A_492 = vector.broadcast %broadcast_in_dim3A : vector<1024x1xf32> to vector<1024x128xf32>
    %add3A_493 = vector.broadcast %slice3A_491 : vector<1x128xf32> to vector<1024x128xf32>
    %add3A_494 = arith.addf %add3A_492, %add3A_493 : vector<1024x128xf32>
    %slice3A_495 = vector.extract_strided_slice %dot_general3A_14 {offsets = [0, 5376], sizes = [1024, 128], strides = [1, 1]} : vector<1024x8192xf32> to vector<1024x128xf32>
    %add3A_496 = arith.addf %add3A_494, %slice3A_495 : vector<1024x128xf32>
    %lt3A_497 = arith.cmpf olt, %add3A_496, %min3A_487 : vector<1024x128xf32>
    %min3A_498 = arith.minimumf %min3A_487, %add3A_496 : vector<1024x128xf32>
    %jit3A_499 = arith.constant 42 : i32
    %broadcast_in_dim3A_500 = vector.broadcast %jit3A_499 : i32 to vector<1024x128xi32>
    %select_n3A_501 = arith.select %lt3A_497, %broadcast_in_dim3A_500, %select_n3A_490 : vector<1024x128xi1>, vector<1024x128xi32>
    %slice3A_502 = vector.extract_strided_slice %mul3A_12 {offsets = [0, 5504], sizes = [1, 128], strides = [1, 1]} : vector<1x8192xf32> to vector<1x128xf32>
    %add3A_503 = vector.broadcast %broadcast_in_dim3A : vector<1024x1xf32> to vector<1024x128xf32>
    %add3A_504 = vector.broadcast %slice3A_502 : vector<1x128xf32> to vector<1024x128xf32>
    %add3A_505 = arith.addf %add3A_503, %add3A_504 : vector<1024x128xf32>
    %slice3A_506 = vector.extract_strided_slice %dot_general3A_14 {offsets = [0, 5504], sizes = [1024, 128], strides = [1, 1]} : vector<1024x8192xf32> to vector<1024x128xf32>
    %add3A_507 = arith.addf %add3A_505, %slice3A_506 : vector<1024x128xf32>
    %lt3A_508 = arith.cmpf olt, %add3A_507, %min3A_498 : vector<1024x128xf32>
    %min3A_509 = arith.minimumf %min3A_498, %add3A_507 : vector<1024x128xf32>
    %jit3A_510 = arith.constant 43 : i32
    %broadcast_in_dim3A_511 = vector.broadcast %jit3A_510 : i32 to vector<1024x128xi32>
    %select_n3A_512 = arith.select %lt3A_508, %broadcast_in_dim3A_511, %select_n3A_501 : vector<1024x128xi1>, vector<1024x128xi32>
    %slice3A_513 = vector.extract_strided_slice %mul3A_12 {offsets = [0, 5632], sizes = [1, 128], strides = [1, 1]} : vector<1x8192xf32> to vector<1x128xf32>
    %add3A_514 = vector.broadcast %broadcast_in_dim3A : vector<1024x1xf32> to vector<1024x128xf32>
    %add3A_515 = vector.broadcast %slice3A_513 : vector<1x128xf32> to vector<1024x128xf32>
    %add3A_516 = arith.addf %add3A_514, %add3A_515 : vector<1024x128xf32>
    %slice3A_517 = vector.extract_strided_slice %dot_general3A_14 {offsets = [0, 5632], sizes = [1024, 128], strides = [1, 1]} : vector<1024x8192xf32> to vector<1024x128xf32>
    %add3A_518 = arith.addf %add3A_516, %slice3A_517 : vector<1024x128xf32>
    %lt3A_519 = arith.cmpf olt, %add3A_518, %min3A_509 : vector<1024x128xf32>
    %min3A_520 = arith.minimumf %min3A_509, %add3A_518 : vector<1024x128xf32>
    %jit3A_521 = arith.constant 44 : i32
    %broadcast_in_dim3A_522 = vector.broadcast %jit3A_521 : i32 to vector<1024x128xi32>
    %select_n3A_523 = arith.select %lt3A_519, %broadcast_in_dim3A_522, %select_n3A_512 : vector<1024x128xi1>, vector<1024x128xi32>
    %slice3A_524 = vector.extract_strided_slice %mul3A_12 {offsets = [0, 5760], sizes = [1, 128], strides = [1, 1]} : vector<1x8192xf32> to vector<1x128xf32>
    %add3A_525 = vector.broadcast %broadcast_in_dim3A : vector<1024x1xf32> to vector<1024x128xf32>
    %add3A_526 = vector.broadcast %slice3A_524 : vector<1x128xf32> to vector<1024x128xf32>
    %add3A_527 = arith.addf %add3A_525, %add3A_526 : vector<1024x128xf32>
    %slice3A_528 = vector.extract_strided_slice %dot_general3A_14 {offsets = [0, 5760], sizes = [1024, 128], strides = [1, 1]} : vector<1024x8192xf32> to vector<1024x128xf32>
    %add3A_529 = arith.addf %add3A_527, %slice3A_528 : vector<1024x128xf32>
    %lt3A_530 = arith.cmpf olt, %add3A_529, %min3A_520 : vector<1024x128xf32>
    %min3A_531 = arith.minimumf %min3A_520, %add3A_529 : vector<1024x128xf32>
    %jit3A_532 = arith.constant 45 : i32
    %broadcast_in_dim3A_533 = vector.broadcast %jit3A_532 : i32 to vector<1024x128xi32>
    %select_n3A_534 = arith.select %lt3A_530, %broadcast_in_dim3A_533, %select_n3A_523 : vector<1024x128xi1>, vector<1024x128xi32>
    %slice3A_535 = vector.extract_strided_slice %mul3A_12 {offsets = [0, 5888], sizes = [1, 128], strides = [1, 1]} : vector<1x8192xf32> to vector<1x128xf32>
    %add3A_536 = vector.broadcast %broadcast_in_dim3A : vector<1024x1xf32> to vector<1024x128xf32>
    %add3A_537 = vector.broadcast %slice3A_535 : vector<1x128xf32> to vector<1024x128xf32>
    %add3A_538 = arith.addf %add3A_536, %add3A_537 : vector<1024x128xf32>
    %slice3A_539 = vector.extract_strided_slice %dot_general3A_14 {offsets = [0, 5888], sizes = [1024, 128], strides = [1, 1]} : vector<1024x8192xf32> to vector<1024x128xf32>
    %add3A_540 = arith.addf %add3A_538, %slice3A_539 : vector<1024x128xf32>
    %lt3A_541 = arith.cmpf olt, %add3A_540, %min3A_531 : vector<1024x128xf32>
    %min3A_542 = arith.minimumf %min3A_531, %add3A_540 : vector<1024x128xf32>
    %jit3A_543 = arith.constant 46 : i32
    %broadcast_in_dim3A_544 = vector.broadcast %jit3A_543 : i32 to vector<1024x128xi32>
    %select_n3A_545 = arith.select %lt3A_541, %broadcast_in_dim3A_544, %select_n3A_534 : vector<1024x128xi1>, vector<1024x128xi32>
    %slice3A_546 = vector.extract_strided_slice %mul3A_12 {offsets = [0, 6016], sizes = [1, 128], strides = [1, 1]} : vector<1x8192xf32> to vector<1x128xf32>
    %add3A_547 = vector.broadcast %broadcast_in_dim3A : vector<1024x1xf32> to vector<1024x128xf32>
    %add3A_548 = vector.broadcast %slice3A_546 : vector<1x128xf32> to vector<1024x128xf32>
    %add3A_549 = arith.addf %add3A_547, %add3A_548 : vector<1024x128xf32>
    %slice3A_550 = vector.extract_strided_slice %dot_general3A_14 {offsets = [0, 6016], sizes = [1024, 128], strides = [1, 1]} : vector<1024x8192xf32> to vector<1024x128xf32>
    %add3A_551 = arith.addf %add3A_549, %slice3A_550 : vector<1024x128xf32>
    %lt3A_552 = arith.cmpf olt, %add3A_551, %min3A_542 : vector<1024x128xf32>
    %min3A_553 = arith.minimumf %min3A_542, %add3A_551 : vector<1024x128xf32>
    %jit3A_554 = arith.constant 47 : i32
    %broadcast_in_dim3A_555 = vector.broadcast %jit3A_554 : i32 to vector<1024x128xi32>
    %select_n3A_556 = arith.select %lt3A_552, %broadcast_in_dim3A_555, %select_n3A_545 : vector<1024x128xi1>, vector<1024x128xi32>
    %slice3A_557 = vector.extract_strided_slice %mul3A_12 {offsets = [0, 6144], sizes = [1, 128], strides = [1, 1]} : vector<1x8192xf32> to vector<1x128xf32>
    %add3A_558 = vector.broadcast %broadcast_in_dim3A : vector<1024x1xf32> to vector<1024x128xf32>
    %add3A_559 = vector.broadcast %slice3A_557 : vector<1x128xf32> to vector<1024x128xf32>
    %add3A_560 = arith.addf %add3A_558, %add3A_559 : vector<1024x128xf32>
    %slice3A_561 = vector.extract_strided_slice %dot_general3A_14 {offsets = [0, 6144], sizes = [1024, 128], strides = [1, 1]} : vector<1024x8192xf32> to vector<1024x128xf32>
    %add3A_562 = arith.addf %add3A_560, %slice3A_561 : vector<1024x128xf32>
    %lt3A_563 = arith.cmpf olt, %add3A_562, %min3A_553 : vector<1024x128xf32>
    %min3A_564 = arith.minimumf %min3A_553, %add3A_562 : vector<1024x128xf32>
    %jit3A_565 = arith.constant 48 : i32
    %broadcast_in_dim3A_566 = vector.broadcast %jit3A_565 : i32 to vector<1024x128xi32>
    %select_n3A_567 = arith.select %lt3A_563, %broadcast_in_dim3A_566, %select_n3A_556 : vector<1024x128xi1>, vector<1024x128xi32>
    %slice3A_568 = vector.extract_strided_slice %mul3A_12 {offsets = [0, 6272], sizes = [1, 128], strides = [1, 1]} : vector<1x8192xf32> to vector<1x128xf32>
    %add3A_569 = vector.broadcast %broadcast_in_dim3A : vector<1024x1xf32> to vector<1024x128xf32>
    %add3A_570 = vector.broadcast %slice3A_568 : vector<1x128xf32> to vector<1024x128xf32>
    %add3A_571 = arith.addf %add3A_569, %add3A_570 : vector<1024x128xf32>
    %slice3A_572 = vector.extract_strided_slice %dot_general3A_14 {offsets = [0, 6272], sizes = [1024, 128], strides = [1, 1]} : vector<1024x8192xf32> to vector<1024x128xf32>
    %add3A_573 = arith.addf %add3A_571, %slice3A_572 : vector<1024x128xf32>
    %lt3A_574 = arith.cmpf olt, %add3A_573, %min3A_564 : vector<1024x128xf32>
    %min3A_575 = arith.minimumf %min3A_564, %add3A_573 : vector<1024x128xf32>
    %jit3A_576 = arith.constant 49 : i32
    %broadcast_in_dim3A_577 = vector.broadcast %jit3A_576 : i32 to vector<1024x128xi32>
    %select_n3A_578 = arith.select %lt3A_574, %broadcast_in_dim3A_577, %select_n3A_567 : vector<1024x128xi1>, vector<1024x128xi32>
    %slice3A_579 = vector.extract_strided_slice %mul3A_12 {offsets = [0, 6400], sizes = [1, 128], strides = [1, 1]} : vector<1x8192xf32> to vector<1x128xf32>
    %add3A_580 = vector.broadcast %broadcast_in_dim3A : vector<1024x1xf32> to vector<1024x128xf32>
    %add3A_581 = vector.broadcast %slice3A_579 : vector<1x128xf32> to vector<1024x128xf32>
    %add3A_582 = arith.addf %add3A_580, %add3A_581 : vector<1024x128xf32>
    %slice3A_583 = vector.extract_strided_slice %dot_general3A_14 {offsets = [0, 6400], sizes = [1024, 128], strides = [1, 1]} : vector<1024x8192xf32> to vector<1024x128xf32>
    %add3A_584 = arith.addf %add3A_582, %slice3A_583 : vector<1024x128xf32>
    %lt3A_585 = arith.cmpf olt, %add3A_584, %min3A_575 : vector<1024x128xf32>
    %min3A_586 = arith.minimumf %min3A_575, %add3A_584 : vector<1024x128xf32>
    %jit3A_587 = arith.constant 50 : i32
    %broadcast_in_dim3A_588 = vector.broadcast %jit3A_587 : i32 to vector<1024x128xi32>
    %select_n3A_589 = arith.select %lt3A_585, %broadcast_in_dim3A_588, %select_n3A_578 : vector<1024x128xi1>, vector<1024x128xi32>
    %slice3A_590 = vector.extract_strided_slice %mul3A_12 {offsets = [0, 6528], sizes = [1, 128], strides = [1, 1]} : vector<1x8192xf32> to vector<1x128xf32>
    %add3A_591 = vector.broadcast %broadcast_in_dim3A : vector<1024x1xf32> to vector<1024x128xf32>
    %add3A_592 = vector.broadcast %slice3A_590 : vector<1x128xf32> to vector<1024x128xf32>
    %add3A_593 = arith.addf %add3A_591, %add3A_592 : vector<1024x128xf32>
    %slice3A_594 = vector.extract_strided_slice %dot_general3A_14 {offsets = [0, 6528], sizes = [1024, 128], strides = [1, 1]} : vector<1024x8192xf32> to vector<1024x128xf32>
    %add3A_595 = arith.addf %add3A_593, %slice3A_594 : vector<1024x128xf32>
    %lt3A_596 = arith.cmpf olt, %add3A_595, %min3A_586 : vector<1024x128xf32>
    %min3A_597 = arith.minimumf %min3A_586, %add3A_595 : vector<1024x128xf32>
    %jit3A_598 = arith.constant 51 : i32
    %broadcast_in_dim3A_599 = vector.broadcast %jit3A_598 : i32 to vector<1024x128xi32>
    %select_n3A_600 = arith.select %lt3A_596, %broadcast_in_dim3A_599, %select_n3A_589 : vector<1024x128xi1>, vector<1024x128xi32>
    %slice3A_601 = vector.extract_strided_slice %mul3A_12 {offsets = [0, 6656], sizes = [1, 128], strides = [1, 1]} : vector<1x8192xf32> to vector<1x128xf32>
    %add3A_602 = vector.broadcast %broadcast_in_dim3A : vector<1024x1xf32> to vector<1024x128xf32>
    %add3A_603 = vector.broadcast %slice3A_601 : vector<1x128xf32> to vector<1024x128xf32>
    %add3A_604 = arith.addf %add3A_602, %add3A_603 : vector<1024x128xf32>
    %slice3A_605 = vector.extract_strided_slice %dot_general3A_14 {offsets = [0, 6656], sizes = [1024, 128], strides = [1, 1]} : vector<1024x8192xf32> to vector<1024x128xf32>
    %add3A_606 = arith.addf %add3A_604, %slice3A_605 : vector<1024x128xf32>
    %lt3A_607 = arith.cmpf olt, %add3A_606, %min3A_597 : vector<1024x128xf32>
    %min3A_608 = arith.minimumf %min3A_597, %add3A_606 : vector<1024x128xf32>
    %jit3A_609 = arith.constant 52 : i32
    %broadcast_in_dim3A_610 = vector.broadcast %jit3A_609 : i32 to vector<1024x128xi32>
    %select_n3A_611 = arith.select %lt3A_607, %broadcast_in_dim3A_610, %select_n3A_600 : vector<1024x128xi1>, vector<1024x128xi32>
    %slice3A_612 = vector.extract_strided_slice %mul3A_12 {offsets = [0, 6784], sizes = [1, 128], strides = [1, 1]} : vector<1x8192xf32> to vector<1x128xf32>
    %add3A_613 = vector.broadcast %broadcast_in_dim3A : vector<1024x1xf32> to vector<1024x128xf32>
    %add3A_614 = vector.broadcast %slice3A_612 : vector<1x128xf32> to vector<1024x128xf32>
    %add3A_615 = arith.addf %add3A_613, %add3A_614 : vector<1024x128xf32>
    %slice3A_616 = vector.extract_strided_slice %dot_general3A_14 {offsets = [0, 6784], sizes = [1024, 128], strides = [1, 1]} : vector<1024x8192xf32> to vector<1024x128xf32>
    %add3A_617 = arith.addf %add3A_615, %slice3A_616 : vector<1024x128xf32>
    %lt3A_618 = arith.cmpf olt, %add3A_617, %min3A_608 : vector<1024x128xf32>
    %min3A_619 = arith.minimumf %min3A_608, %add3A_617 : vector<1024x128xf32>
    %jit3A_620 = arith.constant 53 : i32
    %broadcast_in_dim3A_621 = vector.broadcast %jit3A_620 : i32 to vector<1024x128xi32>
    %select_n3A_622 = arith.select %lt3A_618, %broadcast_in_dim3A_621, %select_n3A_611 : vector<1024x128xi1>, vector<1024x128xi32>
    %slice3A_623 = vector.extract_strided_slice %mul3A_12 {offsets = [0, 6912], sizes = [1, 128], strides = [1, 1]} : vector<1x8192xf32> to vector<1x128xf32>
    %add3A_624 = vector.broadcast %broadcast_in_dim3A : vector<1024x1xf32> to vector<1024x128xf32>
    %add3A_625 = vector.broadcast %slice3A_623 : vector<1x128xf32> to vector<1024x128xf32>
    %add3A_626 = arith.addf %add3A_624, %add3A_625 : vector<1024x128xf32>
    %slice3A_627 = vector.extract_strided_slice %dot_general3A_14 {offsets = [0, 6912], sizes = [1024, 128], strides = [1, 1]} : vector<1024x8192xf32> to vector<1024x128xf32>
    %add3A_628 = arith.addf %add3A_626, %slice3A_627 : vector<1024x128xf32>
    %lt3A_629 = arith.cmpf olt, %add3A_628, %min3A_619 : vector<1024x128xf32>
    %min3A_630 = arith.minimumf %min3A_619, %add3A_628 : vector<1024x128xf32>
    %jit3A_631 = arith.constant 54 : i32
    %broadcast_in_dim3A_632 = vector.broadcast %jit3A_631 : i32 to vector<1024x128xi32>
    %select_n3A_633 = arith.select %lt3A_629, %broadcast_in_dim3A_632, %select_n3A_622 : vector<1024x128xi1>, vector<1024x128xi32>
    %slice3A_634 = vector.extract_strided_slice %mul3A_12 {offsets = [0, 7040], sizes = [1, 128], strides = [1, 1]} : vector<1x8192xf32> to vector<1x128xf32>
    %add3A_635 = vector.broadcast %broadcast_in_dim3A : vector<1024x1xf32> to vector<1024x128xf32>
    %add3A_636 = vector.broadcast %slice3A_634 : vector<1x128xf32> to vector<1024x128xf32>
    %add3A_637 = arith.addf %add3A_635, %add3A_636 : vector<1024x128xf32>
    %slice3A_638 = vector.extract_strided_slice %dot_general3A_14 {offsets = [0, 7040], sizes = [1024, 128], strides = [1, 1]} : vector<1024x8192xf32> to vector<1024x128xf32>
    %add3A_639 = arith.addf %add3A_637, %slice3A_638 : vector<1024x128xf32>
    %lt3A_640 = arith.cmpf olt, %add3A_639, %min3A_630 : vector<1024x128xf32>
    %min3A_641 = arith.minimumf %min3A_630, %add3A_639 : vector<1024x128xf32>
    %jit3A_642 = arith.constant 55 : i32
    %broadcast_in_dim3A_643 = vector.broadcast %jit3A_642 : i32 to vector<1024x128xi32>
    %select_n3A_644 = arith.select %lt3A_640, %broadcast_in_dim3A_643, %select_n3A_633 : vector<1024x128xi1>, vector<1024x128xi32>
    %slice3A_645 = vector.extract_strided_slice %mul3A_12 {offsets = [0, 7168], sizes = [1, 128], strides = [1, 1]} : vector<1x8192xf32> to vector<1x128xf32>
    %add3A_646 = vector.broadcast %broadcast_in_dim3A : vector<1024x1xf32> to vector<1024x128xf32>
    %add3A_647 = vector.broadcast %slice3A_645 : vector<1x128xf32> to vector<1024x128xf32>
    %add3A_648 = arith.addf %add3A_646, %add3A_647 : vector<1024x128xf32>
    %slice3A_649 = vector.extract_strided_slice %dot_general3A_14 {offsets = [0, 7168], sizes = [1024, 128], strides = [1, 1]} : vector<1024x8192xf32> to vector<1024x128xf32>
    %add3A_650 = arith.addf %add3A_648, %slice3A_649 : vector<1024x128xf32>
    %lt3A_651 = arith.cmpf olt, %add3A_650, %min3A_641 : vector<1024x128xf32>
    %min3A_652 = arith.minimumf %min3A_641, %add3A_650 : vector<1024x128xf32>
    %jit3A_653 = arith.constant 56 : i32
    %broadcast_in_dim3A_654 = vector.broadcast %jit3A_653 : i32 to vector<1024x128xi32>
    %select_n3A_655 = arith.select %lt3A_651, %broadcast_in_dim3A_654, %select_n3A_644 : vector<1024x128xi1>, vector<1024x128xi32>
    %slice3A_656 = vector.extract_strided_slice %mul3A_12 {offsets = [0, 7296], sizes = [1, 128], strides = [1, 1]} : vector<1x8192xf32> to vector<1x128xf32>
    %add3A_657 = vector.broadcast %broadcast_in_dim3A : vector<1024x1xf32> to vector<1024x128xf32>
    %add3A_658 = vector.broadcast %slice3A_656 : vector<1x128xf32> to vector<1024x128xf32>
    %add3A_659 = arith.addf %add3A_657, %add3A_658 : vector<1024x128xf32>
    %slice3A_660 = vector.extract_strided_slice %dot_general3A_14 {offsets = [0, 7296], sizes = [1024, 128], strides = [1, 1]} : vector<1024x8192xf32> to vector<1024x128xf32>
    %add3A_661 = arith.addf %add3A_659, %slice3A_660 : vector<1024x128xf32>
    %lt3A_662 = arith.cmpf olt, %add3A_661, %min3A_652 : vector<1024x128xf32>
    %min3A_663 = arith.minimumf %min3A_652, %add3A_661 : vector<1024x128xf32>
    %jit3A_664 = arith.constant 57 : i32
    %broadcast_in_dim3A_665 = vector.broadcast %jit3A_664 : i32 to vector<1024x128xi32>
    %select_n3A_666 = arith.select %lt3A_662, %broadcast_in_dim3A_665, %select_n3A_655 : vector<1024x128xi1>, vector<1024x128xi32>
    %slice3A_667 = vector.extract_strided_slice %mul3A_12 {offsets = [0, 7424], sizes = [1, 128], strides = [1, 1]} : vector<1x8192xf32> to vector<1x128xf32>
    %add3A_668 = vector.broadcast %broadcast_in_dim3A : vector<1024x1xf32> to vector<1024x128xf32>
    %add3A_669 = vector.broadcast %slice3A_667 : vector<1x128xf32> to vector<1024x128xf32>
    %add3A_670 = arith.addf %add3A_668, %add3A_669 : vector<1024x128xf32>
    %slice3A_671 = vector.extract_strided_slice %dot_general3A_14 {offsets = [0, 7424], sizes = [1024, 128], strides = [1, 1]} : vector<1024x8192xf32> to vector<1024x128xf32>
    %add3A_672 = arith.addf %add3A_670, %slice3A_671 : vector<1024x128xf32>
    %lt3A_673 = arith.cmpf olt, %add3A_672, %min3A_663 : vector<1024x128xf32>
    %min3A_674 = arith.minimumf %min3A_663, %add3A_672 : vector<1024x128xf32>
    %jit3A_675 = arith.constant 58 : i32
    %broadcast_in_dim3A_676 = vector.broadcast %jit3A_675 : i32 to vector<1024x128xi32>
    %select_n3A_677 = arith.select %lt3A_673, %broadcast_in_dim3A_676, %select_n3A_666 : vector<1024x128xi1>, vector<1024x128xi32>
    %slice3A_678 = vector.extract_strided_slice %mul3A_12 {offsets = [0, 7552], sizes = [1, 128], strides = [1, 1]} : vector<1x8192xf32> to vector<1x128xf32>
    %add3A_679 = vector.broadcast %broadcast_in_dim3A : vector<1024x1xf32> to vector<1024x128xf32>
    %add3A_680 = vector.broadcast %slice3A_678 : vector<1x128xf32> to vector<1024x128xf32>
    %add3A_681 = arith.addf %add3A_679, %add3A_680 : vector<1024x128xf32>
    %slice3A_682 = vector.extract_strided_slice %dot_general3A_14 {offsets = [0, 7552], sizes = [1024, 128], strides = [1, 1]} : vector<1024x8192xf32> to vector<1024x128xf32>
    %add3A_683 = arith.addf %add3A_681, %slice3A_682 : vector<1024x128xf32>
    %lt3A_684 = arith.cmpf olt, %add3A_683, %min3A_674 : vector<1024x128xf32>
    %min3A_685 = arith.minimumf %min3A_674, %add3A_683 : vector<1024x128xf32>
    %jit3A_686 = arith.constant 59 : i32
    %broadcast_in_dim3A_687 = vector.broadcast %jit3A_686 : i32 to vector<1024x128xi32>
    %select_n3A_688 = arith.select %lt3A_684, %broadcast_in_dim3A_687, %select_n3A_677 : vector<1024x128xi1>, vector<1024x128xi32>
    %slice3A_689 = vector.extract_strided_slice %mul3A_12 {offsets = [0, 7680], sizes = [1, 128], strides = [1, 1]} : vector<1x8192xf32> to vector<1x128xf32>
    %add3A_690 = vector.broadcast %broadcast_in_dim3A : vector<1024x1xf32> to vector<1024x128xf32>
    %add3A_691 = vector.broadcast %slice3A_689 : vector<1x128xf32> to vector<1024x128xf32>
    %add3A_692 = arith.addf %add3A_690, %add3A_691 : vector<1024x128xf32>
    %slice3A_693 = vector.extract_strided_slice %dot_general3A_14 {offsets = [0, 7680], sizes = [1024, 128], strides = [1, 1]} : vector<1024x8192xf32> to vector<1024x128xf32>
    %add3A_694 = arith.addf %add3A_692, %slice3A_693 : vector<1024x128xf32>
    %lt3A_695 = arith.cmpf olt, %add3A_694, %min3A_685 : vector<1024x128xf32>
    %min3A_696 = arith.minimumf %min3A_685, %add3A_694 : vector<1024x128xf32>
    %jit3A_697 = arith.constant 60 : i32
    %broadcast_in_dim3A_698 = vector.broadcast %jit3A_697 : i32 to vector<1024x128xi32>
    %select_n3A_699 = arith.select %lt3A_695, %broadcast_in_dim3A_698, %select_n3A_688 : vector<1024x128xi1>, vector<1024x128xi32>
    %slice3A_700 = vector.extract_strided_slice %mul3A_12 {offsets = [0, 7808], sizes = [1, 128], strides = [1, 1]} : vector<1x8192xf32> to vector<1x128xf32>
    %add3A_701 = vector.broadcast %broadcast_in_dim3A : vector<1024x1xf32> to vector<1024x128xf32>
    %add3A_702 = vector.broadcast %slice3A_700 : vector<1x128xf32> to vector<1024x128xf32>
    %add3A_703 = arith.addf %add3A_701, %add3A_702 : vector<1024x128xf32>
    %slice3A_704 = vector.extract_strided_slice %dot_general3A_14 {offsets = [0, 7808], sizes = [1024, 128], strides = [1, 1]} : vector<1024x8192xf32> to vector<1024x128xf32>
    %add3A_705 = arith.addf %add3A_703, %slice3A_704 : vector<1024x128xf32>
    %lt3A_706 = arith.cmpf olt, %add3A_705, %min3A_696 : vector<1024x128xf32>
    %min3A_707 = arith.minimumf %min3A_696, %add3A_705 : vector<1024x128xf32>
    %jit3A_708 = arith.constant 61 : i32
    %broadcast_in_dim3A_709 = vector.broadcast %jit3A_708 : i32 to vector<1024x128xi32>
    %select_n3A_710 = arith.select %lt3A_706, %broadcast_in_dim3A_709, %select_n3A_699 : vector<1024x128xi1>, vector<1024x128xi32>
    %slice3A_711 = vector.extract_strided_slice %mul3A_12 {offsets = [0, 7936], sizes = [1, 128], strides = [1, 1]} : vector<1x8192xf32> to vector<1x128xf32>
    %add3A_712 = vector.broadcast %broadcast_in_dim3A : vector<1024x1xf32> to vector<1024x128xf32>
    %add3A_713 = vector.broadcast %slice3A_711 : vector<1x128xf32> to vector<1024x128xf32>
    %add3A_714 = arith.addf %add3A_712, %add3A_713 : vector<1024x128xf32>
    %slice3A_715 = vector.extract_strided_slice %dot_general3A_14 {offsets = [0, 7936], sizes = [1024, 128], strides = [1, 1]} : vector<1024x8192xf32> to vector<1024x128xf32>
    %add3A_716 = arith.addf %add3A_714, %slice3A_715 : vector<1024x128xf32>
    %lt3A_717 = arith.cmpf olt, %add3A_716, %min3A_707 : vector<1024x128xf32>
    %min3A_718 = arith.minimumf %min3A_707, %add3A_716 : vector<1024x128xf32>
    %jit3A_719 = arith.constant 62 : i32
    %broadcast_in_dim3A_720 = vector.broadcast %jit3A_719 : i32 to vector<1024x128xi32>
    %select_n3A_721 = arith.select %lt3A_717, %broadcast_in_dim3A_720, %select_n3A_710 : vector<1024x128xi1>, vector<1024x128xi32>
    %slice3A_722 = vector.extract_strided_slice %mul3A_12 {offsets = [0, 8064], sizes = [1, 128], strides = [1, 1]} : vector<1x8192xf32> to vector<1x128xf32>
    %add3A_723 = vector.broadcast %broadcast_in_dim3A : vector<1024x1xf32> to vector<1024x128xf32>
    %add3A_724 = vector.broadcast %slice3A_722 : vector<1x128xf32> to vector<1024x128xf32>
    %add3A_725 = arith.addf %add3A_723, %add3A_724 : vector<1024x128xf32>
    %slice3A_726 = vector.extract_strided_slice %dot_general3A_14 {offsets = [0, 8064], sizes = [1024, 128], strides = [1, 1]} : vector<1024x8192xf32> to vector<1024x128xf32>
    %add3A_727 = arith.addf %add3A_725, %slice3A_726 : vector<1024x128xf32>
    %lt3A_728 = arith.cmpf olt, %add3A_727, %min3A_718 : vector<1024x128xf32>
    %min3A_729 = arith.minimumf %min3A_718, %add3A_727 : vector<1024x128xf32>
    %jit3A_730 = arith.constant 63 : i32
    %broadcast_in_dim3A_731 = vector.broadcast %jit3A_730 : i32 to vector<1024x128xi32>
    %select_n3A_732 = arith.select %lt3A_728, %broadcast_in_dim3A_731, %select_n3A_721 : vector<1024x128xi1>, vector<1024x128xi32>
    %mul3A_733 = arith.constant 128 : i32
    %mul3A_734 = vector.broadcast %mul3A_733 : i32 to vector<1024x128xi32>
    %mul3A_735 = arith.muli %select_n3A_732, %mul3A_734 : vector<1024x128xi32>
    %iota3A_736 = tpu.iota {dimensions = array<i32: 1>} : vector<1024x128xi32>
    %add3A_737 = arith.addi %mul3A_735, %iota3A_736 : vector<1024x128xi32>
    %reduce_min3A_738 = arith.constant dense<0x7F800000> : vector<1024xf32>
    %reduce_min3A_739 = vector.multi_reduction <minimumf>, %min3A_729, %reduce_min3A_738 [1] : vector<1024x128xf32> to vector<1024xf32>
    %broadcast_in_dim3A_740 = vector.shape_cast %reduce_min3A_739 : vector<1024xf32> to vector<1024x1xf32>
    %le3A_741 = vector.broadcast %broadcast_in_dim3A_740 : vector<1024x1xf32> to vector<1024x128xf32>
    %le3A_742 = arith.cmpf ole, %min3A_729, %le3A_741 : vector<1024x128xf32>
    %jit3A_743 = arith.constant 8192 : i32
    %broadcast_in_dim3A_744 = vector.broadcast %jit3A_743 : i32 to vector<1024x128xi32>
    %select_n3A_745 = arith.select %le3A_742, %add3A_737, %broadcast_in_dim3A_744 : vector<1024x128xi1>, vector<1024x128xi32>
    %reduce_min3A_746 = arith.constant dense<2147483647> : vector<1024xi32>
    %reduce_min3A_747 = vector.multi_reduction <minsi>, %select_n3A_745, %reduce_min3A_746 [1] : vector<1024x128xi32> to vector<1024xi32>
    %max3A = arith.constant 0.000000e+00 : f32
    %max3A_748 = vector.broadcast %max3A : f32 to vector<1024x1xf32>
    %max3A_749 = arith.maximumf %broadcast_in_dim3A_370, %max3A_748 : vector<1024x1xf32>
    %sqrt3A = math.sqrt %max3A_749 : vector<1024x1xf32>
    %max3A_750 = arith.constant 0.000000e+00 : f32
    %max3A_751 = vector.broadcast %max3A_750 : f32 to vector<1024x1xf32>
    %max3A_752 = arith.maximumf %broadcast_in_dim3A_740, %max3A_751 : vector<1024x1xf32>
    %sqrt3A_753 = math.sqrt %max3A_752 : vector<1024x1xf32>
    %convert_element_type3A_754 = arith.truncf %sqrt3A : vector<1024x1xf32> to vector<1024x1xbf16>
    %convert_element_type3A_755 = arith.extf %convert_element_type3A_754 : vector<1024x1xbf16> to vector<1024x1xf32>
    %le3A_756 = arith.cmpf ole, %convert_element_type3A_755, %sqrt3A_753 : vector<1024x1xf32>
    %squeeze3A = vector.shape_cast %le3A_756 : vector<1024x1xi1> to vector<1024xi1>
    %select_n3A_757 = arith.select %squeeze3A, %reduce_min3A_376, %reduce_min3A_747 : vector<1024xi1>, vector<1024xi32>
    %swap3A = arith.constant 0 : index
    %swap3A_758 = vector.load %arg3[%swap3A] : memref<1024xi32, #tpu.memory_space<vmem>>, vector<1024xi32>
    tpu.vector_store %arg3[%swap3A], %select_n3A_757 {strides = array<i32>} : memref<1024xi32, #tpu.memory_space<vmem>>, vector<1024xi32>,
    %eq3A = arith.constant 0 : i32
    %eq3A_759 = arith.cmpi eq, %arg0, %eq3A : i32
    %convert_element_type3A_760 = arith.extui %eq3A_759 : i1 to i32
    %cond3A = arith.constant 0 : i32
    %cond3A_761 = arith.cmpi ne, %convert_element_type3A_760, %cond3A : i32
    scf.if %cond3A_761 {
      %swap3A_778 = arith.constant 0.000000e+00 : f32
      %swap3A_779 = arith.constant 0 : index
      %swap3A_780 = arith.constant 0 : index
      %swap3A_781 = memref.load %arg4[%swap3A_779, %swap3A_780] : memref<1x1xf32, #tpu.memory_space<smem>>
      memref.store %swap3A_778, %arg4[%swap3A_779, %swap3A_780] : memref<1x1xf32, #tpu.memory_space<smem>>
    } else {
    }
    %get3A_762 = arith.constant 0 : index
    %get3A_763 = arith.constant 0 : index
    %get3A_764 = memref.load %arg4[%get3A_762, %get3A_763] : memref<1x1xf32, #tpu.memory_space<smem>>
    %min3A_765 = arith.minimumf %broadcast_in_dim3A_370, %broadcast_in_dim3A_740 : vector<1024x1xf32>
    %max3A_766 = arith.constant 0.000000e+00 : f32
    %max3A_767 = vector.broadcast %max3A_766 : f32 to vector<1024x1xf32>
    %max3A_768 = arith.maximumf %min3A_765, %max3A_767 : vector<1024x1xf32>
    %reduce_sum3A_769 = vector.shape_cast %max3A_768 : vector<1024x1xf32> to vector<1x1024x1xf32>
    %reduce_sum3A_770 = arith.constant dense<0.000000e+00> : vector<1xf32>
    %reduce_sum3A_771 = vector.multi_reduction <add>, %reduce_sum3A_769, %reduce_sum3A_770 [1, 2] : vector<1x1024x1xf32> to vector<1xf32>
    %reduce_sum3A_772 = vector.shape_cast %reduce_sum3A_771 : vector<1xf32> to vector<1x1x1xf32>
    %reduce_sum3A_773 = vector.extract %reduce_sum3A_772[0, 0, 0] : f32 from vector<1x1x1xf32>
    %add3A_774 = arith.addf %get3A_764, %reduce_sum3A_773 : f32
    %swap3A_775 = arith.constant 0 : index
    %swap3A_776 = arith.constant 0 : index
    %swap3A_777 = memref.load %arg4[%swap3A_775, %swap3A_776] : memref<1x1xf32, #tpu.memory_space<smem>>
    memref.store %add3A_774, %arg4[%swap3A_775, %swap3A_776] : memref<1x1xf32, #tpu.memory_space<smem>>
    return
  }
  func.func @transform_0(%arg0: i32) -> (i32, i32) {
    %c0_i32 = arith.constant 0 : i32
    %c0_i32_0 = arith.constant 0 : i32
    return %arg0, %c0_i32 : i32, i32
  }
  func.func @transform_1(%arg0: i32) -> (i32, i32) {
    %c0_i32 = arith.constant 0 : i32
    %c0_i32_0 = arith.constant 0 : i32
    %c0_i32_1 = arith.constant 0 : i32
    return %c0_i32, %c0_i32_0 : i32, i32
  }
  func.func @transform_2(%arg0: i32) -> i32 {
    %c0_i32 = arith.constant 0 : i32
    return %arg0 : i32
  }
  func.func @transform_3(%arg0: i32) -> (i32, i32) {
    %c0_i32 = arith.constant 0 : i32
    %c0_i32_0 = arith.constant 0 : i32
    %c0_i32_1 = arith.constant 0 : i32
    return %c0_i32, %c0_i32_0 : i32, i32
  }
}

</mosaic_0001>

<sc_bundles>
// kernel: kernel.4.cloned.1.call-start
scs
__scs_entry_jumppad:
0x0: {  	(pc) =	sbr.rel $0x88, $3  }
0x1: {  	(tag) =	ssettag $0x0;
	lr =	simm.s32 $0x1  }
0x2: {  	[smem:$0x3F9F] =	sst lr;
	_ =	strace $0xD0000000  }
0x3: {  	_ = 	snop  }
0x4: {  	_ = 	snop  }
0x5: {  	_ = 	snop  }
0x6: {  	_ = 	snop  }
0x7: {  	_ = 	snop  }
__scs_overlays_trampoline_lowered:
0x8: {  	[smem:$0x3FAE] =	sst s0  }
0x9: {  	[smem:$0x3FAF] =	sst s1  }
0xa: {  	[smem:$0x3FB0] =	sst s2  }
0xb: {  	[smem:$0x3FB1] =	sst s3  }
0xc: {  	[smem:$0x3FB2] =	sst s4  }
0xd: {  	[smem:$0x3FB3] =	sst s5  }
0xe: {  	[smem:$0x3FB4] =	sst s6  }
0xf: {  	[smem:$0x3FB5] =	sst s7  }
0x10: {  	[smem:$0x3FB6] =	sst s8  }
0x11: {  	[smem:$0x3FB7] =	sst s9;
	s0 =	simm.s32 @!p0 $0x0  }
0x12: {  	s1 =	sld [smem:$0x3F9D];
	s0 =	simm.s32 @p0 $0x1  }
0x13: {  	[smem:$0x3FB8] =	sst s0;
	s0 =	simm.s32 @!p1 $0x0  }
0x14: {  	s2 =	sld [smem:$0x3F9C];
	s0 =	simm.s32 @p1 $0x1  }
0x15: {  	[smem:$0x3FB9] =	sst s0;
	s0 =	simm.s32 @!p2 $0x0  }
0x16: {  	s3 =	sld [smem:$0x3FDB];
	s0 =	simm.s32 @p2 $0x1  }
0x17: {  	s4 =	simm.s32 $0x1BF5;
	[smem:$0x3FBB] =	sst s0  }
0x18: {  	s0 =	sld [smem:$0x3F9E];
	_ =	swait.ge [sflag:s4], $0x0  }
0x19: {  	s7 =	sld [smem:$0x3F9F]  }
0x1a: {  	s8 =	sadd.s32 $0xFFFFE003, lr  }
0x1b: {  	s9 =	sadd.s32 $0xFFFFFEF7, lr;
	s5 =	simm.s32 $0xFFFFFFFF;
	p2 =	slt.u32 s8, $0xFFFFF086  }
0x1c: {  	p1 =	slt.u32 s9, $0xF7A;
	s5 =	simm.s32 @!p2 $0x0  }
0x1d: {  	s5 =	simm.s32 @p1 $0x1;
	p0 =	seq.s32 s7, s2  }
0x1e: {  	s7 =	smul.u32 @!p0 $0xF7A, s2;
	p2 =	seq.s32 @!p0 s5, $0x0  }
0x1f: {  	s9 =	smul.u32 $0xF7A, s1;
	s8 =	simm.s32 @!p0 $0x1BF5;
	p2 =	por !p2, p0  }
0x20: {  	[sflag:s8] =	ssyncset.s32 @!p0 $0xFFFFF086;
	s6 =	sadd.s32 @!p0 s3, s7;
	s7 =	simm.s32 @!p0 $0x108  }
0x21: {  	s3 =	sadd.s32 s3, s9;
	s6 =	sadd.s32 @!p0 $0x88, s6;
	s7 =	simm.s32 @p2 $0x1082  }
0x22: {  	[simem:s7], [sflag:s8] =	dma.local @!p0 [hbm:s6], $0xF7A  }
0x23: {  	s9 =	sor.u32 $0xD0000000, s2;
	s6 =	simm.s32 $0x108;
	_ =	swait.ge @!p0 [sflag:s8], $0x0  }
0x24: {  	s3 =	sadd.s32 $0x88, s3;
	s6 =	simm.s32 @!p1 $0x1082;
	[sflag:s4] =	ssyncset.s32 $0xFFFFF086  }
0x25: {  	[simem:s6], [sflag:s4] =	dma.local [hbm:s3], $0xF7A  }
0x26: {  	[smem:$0x3F9F] =	sst s1;
	(tag) =	ssettag s2;
	_ =	strace s9  }
0x27: {  	s1 =	sld [smem:$0x3FAF]  }
0x28: {  	s2 =	sld [smem:$0x3FB0]  }
0x29: {  	s4 =	sld [smem:$0x3FB2]  }
0x2a: {  	p0 =	seq.s32 s5, $0x0;
	s5 =	sld [smem:$0x3FB3]  }
0x2b: {  	s6 =	sld [smem:$0x3FB4]  }
0x2c: {  	s7 =	sld [smem:$0x3FB5]  }
0x2d: {  	s3 =	simm.s32 $0x108;
	s8 =	sld [smem:$0x3FB6]  }
0x2e: {  	s3 =	simm.s32 @!p0 $0x1082;
	s9 =	sld [smem:$0x3FB7]  }
0x2f: {  	lr =	sadd.s32 s0, s3;
	s0 =	sld [smem:$0x3FAE]  }
0x30: {  	s3 =	sld [smem:$0x3FB1]  }
0x31: {  	[smem:$0x3FBA] =	sst s10  }
0x32: {  	s10 =	sld [smem:$0x3FB8];
	_ =	sdelay $0x3  }
0x33: {  	p0 =	seq.s32 s10, $0x1;
	s10 =	sld [smem:$0x3FBA];
	_ =	sdelay $0x3  }
0x34: {  	[smem:$0x3FBA] =	sst s10  }
0x35: {  	s10 =	sld [smem:$0x3FB9];
	_ =	sdelay $0x3  }
0x36: {  	p1 =	seq.s32 s10, $0x1;
	s10 =	sld [smem:$0x3FBA];
	_ =	sdelay $0x3  }
0x37: {  	[smem:$0x3FBA] =	sst s10  }
0x38: {  	s10 =	sld [smem:$0x3FBB]  }
0x39: {  	_ = 	snop;
	(pc) =	sbr.ind lr, $3  }
0x3a: {  	_ = 	snop  }
0x3b: {  	_ = 	snop  }
0x3c: {  	p2 =	seq.s32 s10, $0x1;
	s10 =	sld [smem:$0x3FBA]  }
0x3d: {  	_ =	shalt  }
0x3e: {  	_ =	shalt  }
0x3f: {  	_ =	shalt  }
0x40: {  	_ =	shalt  }
0x41: {  	_ =	shalt  }
0x42: {  	_ =	shalt  }
0x43: {  	_ =	shalt  }
0x44: {  	_ =	shalt  }
0x45: {  	_ =	shalt  }
0x46: {  	_ =	shalt  }
0x47: {  	_ =	shalt  }
0x48: {  	_ =	shalt  }
0x49: {  	_ =	shalt  }
0x4a: {  	_ =	shalt  }
0x4b: {  	_ =	shalt  }
0x4c: {  	_ =	shalt  }
0x4d: {  	_ =	shalt  }
0x4e: {  	_ =	shalt  }
0x4f: {  	_ =	shalt  }
0x50: {  	_ =	shalt  }
0x51: {  	_ =	shalt  }
0x52: {  	_ =	shalt  }
0x53: {  	_ =	shalt  }
0x54: {  	_ =	shalt  }
0x55: {  	_ =	shalt  }
0x56: {  	_ =	shalt  }
0x57: {  	_ =	shalt  }
0x58: {  	_ =	shalt  }
0x59: {  	_ =	shalt  }
0x5a: {  	_ =	shalt  }
0x5b: {  	_ =	shalt  }
0x5c: {  	_ =	shalt  }
0x5d: {  	_ =	shalt  }
0x5e: {  	_ =	shalt  }
0x5f: {  	_ =	shalt  }
0x60: {  	_ =	shalt  }
0x61: {  	_ =	shalt  }
0x62: {  	_ =	shalt  }
0x63: {  	_ =	shalt  }
0x64: {  	_ =	shalt  }
0x65: {  	_ =	shalt  }
0x66: {  	_ =	shalt  }
0x67: {  	_ =	shalt  }
0x68: {  	_ =	shalt  }
0x69: {  	_ =	shalt  }
0x6a: {  	_ =	shalt  }
0x6b: {  	_ =	shalt  }
0x6c: {  	_ =	shalt  }
0x6d: {  	_ =	shalt  }
0x6e: {  	_ =	shalt  }
0x6f: {  	_ =	shalt  }
0x70: {  	_ =	shalt  }
0x71: {  	_ =	shalt  }
0x72: {  	_ =	shalt  }
0x73: {  	_ =	shalt  }
0x74: {  	_ =	shalt  }
0x75: {  	_ =	shalt  }
0x76: {  	_ =	shalt  }
0x77: {  	_ =	shalt  }
0x78: {  	_ =	shalt  }
0x79: {  	_ =	shalt  }
0x7a: {  	_ =	shalt  }
0x7b: {  	_ =	shalt  }
0x7c: {  	_ =	shalt  }
0x7d: {  	_ =	shalt  }
0x7e: {  	_ =	shalt  }
0x7f: {  	_ =	shalt  }
0x80: {  	_ =	shalt  }
0x81: {  	_ =	shalt  }
0x82: {  	_ =	shalt  }
0x83: {  	_ =	shalt  }
0x84: {  	_ =	shalt  }
0x85: {  	_ =	shalt  }
0x86: {  	_ =	shalt  }
0x87: {  	_ =	shalt  }
.Lfunc_end0:
.L_simem_size_0:
called_computation_lowered:
.L_overlay_start_0:
0x88: {  	s2 =	sld [smem:$0x3FD9]  }
0x89: {  	s3 =	sld [smem:$0x3FFE];
	_ =	sdelay $0x1  }
0x8a: {  	s1 =	srdreg.scid  }
0x8b: {  	s0 =	sand.u32 $0x1, s1  }
0x8c: {  	s14 =	sshll.u32 s0, $0xA;
	s2 =	sadd.s32 s3, s2  }
0x8d: {  	s2 =	sadd.s32 s2, s14  }
0x8e: {  	[smem:$0x3FC6] =	sst s2  }
0x8f: {  	_ = 	snop  }
0x90: {  	s2 =	sld [smem:$0x3FD0];
	_ =	sdelay $0x2  }
0x91: {  	s15 =	simm.s32 $0xA;
	s4 =	simm.s32 $0x10  }
0x92: {  	[smem:s4], [sflag:s15] =	dma.local [hbm:s2], $0x1  }
0x93: {  	_ =	swait.eq [sflag:s15], $0x1  }
0x94: {  	[sflag:s15] =	ssyncset.done $0x0  }
0x95: {  	[sflag:s15] =	ssyncadd.s32 $0xFFFFFFFF  }
0x96: {  	s16 =	sld [smem:$0x10];
	(tm) =	ssettm $0x1  }
0x97: {  	s17 =	sld [smem:$0x3FFB];
	_ =	sdelay $0x3  }
0x98: {  	_ =	strace s17  }
0x99: {  	s3 =	sld [smem:$0x3FFC];
	_ =	sdelay $0x3  }
0x9a: {  	_ =	strace s3  }
0x9b: {  	s3 =	sld [smem:$0x3FFD];
	_ =	sdelay $0x3  }
0x9c: {  	_ =	strace s3  }
0x9d: {  	_ =	strace $0x8FFFFFFF  }
0x9e: {  	s18 =	sld [smem:$0x3FDB];
	_ =	sdelay $0x1  }
0x9f: {  	s19 =	simm.s32 $_scs_section_size  }
0xa0: {  	s5 =	simm.s32 $_size__tile_overlayer_lowered;
	s6 =	simm.s32 $_tile_overlayer_lowered  }
0xa1: {  	s22 =	simm.s32 $0x1BFF;
	s21 =	sshll.u32 s6, $0x1;
	s3 =	sadd.s32 s19, s18  }
0xa2: {  	s7 =	simm.s32 $0x0;
	s20 =	sshll.u32 s5, $0x1;
	s5 =	sadd.s32 s21, s3  }
0xa3: {  	[timem:s7], [sflag:s22] =	dma.local [hbm:s5], s20  }
0xa4: {  	_ =	swait.ge [sflag:s22], s20  }
0xa5: {  	s4 =	ssub.s32 $0x0, s20;
	[sflag:s22] =	ssyncset.done $0x0  }
0xa6: {  	[sflag:s22] =	ssyncadd.s32 s4;
	_ =	sdelay $0x1  }
0xa7: {  	s23 =	simm.s32 $0x1B8B  }
0xa8: {  	_ =	swait.ge [sflag:s23], $0x1  }
0xa9: {  	[sflag:s23] =	ssyncset.done $0x0  }
0xaa: {  	s25 =	simm.s32 $0x1B8E;
	s24 =	sld [smem:$0x3FFE];
	[sflag:s23] =	ssyncadd.s32 $0xFFFFFFFF  }
0xab: {  	s26 =	simm.s32 $execute0_lowered;
	[smem:$0x3FD2] =	sst s25  }
0xac: {  	s5 =	sshll.u32 s26, $0x1;
	_ =	strace $0x80000046;
	[dreg:$0x1] =	wrdreg $0xFFFFFFFF  }
0xad: {  	s28 =	simm.s32 $_size_execute0_lowered;
	s3 =	sadd.s32 s3, s5;
	[dreg:$0x0] =	wrdreg $0x0  }
0xae: {  	s5 =	sshll.u32 s28, $0x1;
	[dreg:$0x2] =	wrdreg s3  }
0xaf: {  	[dreg:$0x3] =	wrdreg s5  }
0xb0: {  	[dreg:$0x4] =	wrdreg $0xC0  }
0xb1: {  	_ =	task [dreg:s7], $0x5FFFF  }
0xb2: {  	[dreg:$0x1] =	wrdreg $0xFFFFFFFF  }
0xb3: {  	[dreg:$0x0] =	wrdreg $0x60  }
0xb4: {  	[dreg:$0x2] =	wrdreg s24  }
0xb5: {  	[dreg:$0x3] =	wrdreg s16  }
0xb6: {  	[dreg:$0x4] =	wrdreg $0x9  }
0xb7: {  	_ =	task.clear_ibuf [dreg:s7], $0x5FFFF;
	_ =	strace $0x90000046  }
0xb8: {  	s29 =	simm.s32 $0x9;
	_ =	strace $0x80000048  }
0xb9: {  	_ =	swait.ge [sflag:s29], $0x1  }
0xba: {  	[sflag:s29] =	ssyncadd.s32 $0xFFFFFFFF  }
0xbb: {  	_ =	strace $0x90000048  }
0xbc: {  	_ =	sfence  }
0xbd: {  	s30 =	sld [smem:$0x0];
	_ =	sdelay $0x2  }
0xbe: {  	s31 =	sshll.u32 s1, $0xD;
	s1 =	sshrl.u32 s1, $0x2  }
0xbf: {  	s3 =	sand.u32 $0x4000, s31;
	s1 =	sadd.s32 s1, s30  }
0xc0: {  	s0 =	sor.u32 s3, s0;
	s1 =	sshll.u32 s1, $0x11  }
0xc1: {  	s0 =	sor.u32 s1, s0  }
0xc2: {  	s0 =	sadd.s32 $0x8F2B, s0  }
0xc3: {  	[sflag:s0] =	ssyncadd.remote.s32 $0x1  }
0xc4: {  	_ =	sfence.sel $0xFFFF  }
0xc5: {  	[dreg:$0x0] =	wrdreg $0xFFFFFFFF;
	(pc) =	sbr.abs _section_cstart, $3  }
0xc6: {  	[dreg:$0x1] =	wrdreg $0xFFFFFFFF  }
0xc7: {  	_ =	task.clear_ibuf [dreg:s7], $0x2FFFF;
	_ =	strace $0x9FFFFFFF  }
0xc8: {  	(tm) =	ssettm $0x7FFFFFFF  }
0xc9: {  	_ =	shalt  }
tec
execute0_lowered:
.L_overlay_start_1:
0x0: {  	(tag) =	ssettag $0x1  }
0x1: {  	s8 =	rddreg [dreg:$0x0];
	s1 =	srdreg.scid  }
0x2: {  	s0 =	stileid.u32;
	s3 =	rddreg [dreg:$0x1];
	s2 =	simm.s32 $0x0  }
0x3: {  	s6 =	sand.u32 $0x1, s1;
	s4 =	sshll.u32 s0, $0x1;
	s1 =	rddreg [dreg:$0x2]  }
0x4: {  	s7 =	simm.s32 $0x1;
	[smem:$0x7FF] =	sst s2;
	s9 =	sor.u32 s6, s4  }
0x5: {  	s5 =	sadd.s32 $0xC00, s8;
	_ =	strace $0x80000047;
	s4 =	sshll.u32 s9, $0x6  }
0x6: {  	s10 =	ssub.s32 $0x2, s6;
	s4 =	sadd.s32 s3, s4;
	s3 =	simm.s32 $0x2  }
0x7: {  	[tilespmem:s2], [sflag:$0x2] =	stream.linear.gather [hbm4b:s4+s2], $0x200, $0x38;
	[tilespmem:$0x10200] =	vst v63  }
0x8: {  	s6 =	simm.s32 $0x200;
	s11 =	sshrl.u32 s10, $0x1;
	_ =	swait.ge [sflag:s3], $0x200  }
0x9: {  	s9 =	sshll.u32 s9, $0xD;
	s31 =	ssub.s32 s10, s11;
	[sflag:s3] =	ssyncset.done $0x0  }
0xa: {  	s8 =	sadd.s32 s9, s8;
	s9 =	smax.u32 s31, $0x1;
	[sflag:s3] =	ssyncadd.s32 $0xFFFFFE00  }
0xb: {  	[tilespmem:s6], [sflag:$0x1] =	stream.indirect.gather [hbm4b:s5+s6], $0x80, s2, s6, $0xb8;
	[tilespmem:$0x10200] =	vst v63  }
0xc: {  	p0 =	sne.s32 s9, $0x1;
	_ =	swait.ge [sflag:s7], $0x10000  }
.Ltmp0:
0xd: {  	[sflag:s7] =	ssyncset.done $0x0;
	(pc) =	sbr.rel @!p0 .LBB2_2-.Ltmp0, $4  }
0xe: {  	s8 =	sadd.s32 $0x20C00, s8;
	[sflag:s7] =	ssyncadd.s32 $0xFFFF0000  }
0xf: {  	[hbm4b:s8+s2] =	stream.linear.scatter [tilespmem:s6], [sflag:$0x2], $0x10000, $0x38;
	[tilespmem:$0x10200] =	vst v63  }
0x10: {  	_ =	swait.ge [sflag:s3], $0x10000  }
0x11: {  	s9 =	sadd.s32 $0xFFFFFFFF, s9;
	[sflag:s3] =	ssyncset.done $0x0  }
.LBB2_1:
0x12: {  	p0 =	sne.s32 s9, $0x1;
	s9 =	sadd.s32 $0xFFFFFFFF, s9;
	[sflag:s3] =	ssyncadd.s32 $0xFFFF0000  }
0x13: {  	[tilespmem:s2], [sflag:$0x2] =	stream.linear.gather [hbm4b:s4+s2], $0x200, $0x38;
	[tilespmem:$0x10200] =	vst v63  }
0x14: {  	_ =	swait.ge [sflag:s3], $0x200  }
0x15: {  	[sflag:s3] =	ssyncset.done $0x0  }
0x16: {  	[sflag:s3] =	ssyncadd.s32 $0xFFFFFE00  }
0x17: {  	[tilespmem:s6], [sflag:$0x1] =	stream.indirect.gather [hbm4b:s5+s6], $0x80, s2, s6, $0xb8;
	[tilespmem:$0x10200] =	vst v63  }
0x18: {  	_ =	swait.ge [sflag:s7], $0x10000  }
.Ltmp1:
0x19: {  	[sflag:s7] =	ssyncset.done $0x0;
	(pc) =	sbr.rel @p0 .LBB2_1-.Ltmp1, $4  }
0x1a: {  	[sflag:s7] =	ssyncadd.s32 $0xFFFF0000  }
0x1b: {  	[hbm4b:s8+s2] =	stream.linear.scatter [tilespmem:s6], [sflag:$0x2], $0x10000, $0x38;
	[tilespmem:$0x10200] =	vst v63  }
0x1c: {  	_ =	swait.ge [sflag:s3], $0x10000  }
0x1d: {  	[sflag:s3] =	ssyncset.done $0x0  }
.LBB2_2:
0x1e: {  	[sflag:s3] =	ssyncadd.s32 $0xFFFF0000  }
0x1f: {  	_ =	sfence.sel $0x180000  }
0x20: {  	[bflag:$0x0] =	sbarrier.arrive $0xFFFF  }
0x21: {  	p0 =	sne.s32 s0, $0x0;
	_ =	strace $0x90000047  }
0x22: {  	s0 =	sadd.s32 @!p0 $0x100000, s1;
	[bflag:$0x2] =	sbarrier.arrive $0xFFFF  }
0x23: {  	[sflag:s0] =	ssyncadd.tile.s32 @!p0 $0x1;
	_ =	shalt  }
.Lfunc_end2:
_tile_overlayer_lowered:
.L_overlay_start_2:
0x24: {  	(tag) =	ssettag $0x2  }
0x25: {  	s0 =	rddreg [dreg:$0x0];
	s2 =	stileid.u32  }
0x26: {  	s1 =	rddreg [dreg:$0x1];
	p0 =	sne.s32 s2, $0x0  }
0x27: {  	s3 =	rddreg [dreg:$0x2];
	[bflag:$0x3] =	sbarrier.arrive $0xFFFF;
	s2 =	simm.s32 @!p0 $0x1C02  }
0x28: {  	[timem:s3], [sflag:s2] =	dma.local @!p0 [hbm:s0], s1  }
0x29: {  	s0 =	simm.s32 @!p0 $0x2  }
0x2a: {  	_ =	swait.ge @!p0 [sflag:s0], s1  }
0x2b: {  	s1 =	ssub.s32 @!p0 $0x0, s1;
	[sflag:s0] =	ssyncset.done @!p0 $0x0  }
0x2c: {  	[sflag:s0] =	ssyncadd.s32 @!p0 s1  }
0x2d: {  	[bflag:$0x3] =	sbarrier.arrive $0xFFFF  }
0x2e: {  	_ =	shalt  }

</sc_bundles>
